<compile_context>
chip_gen: v7x
topology: tpu7x:2x2x1
jax: 0.10.2.dev20260603
libtpu: 0.0.44.dev20260713+nightly
codegen_flags: <defaults>
</compile_context>

<pallas_src>
import functools
import math

import jax
import jax.numpy as jnp
from jax import lax
from jax.experimental import pallas as pl
from jax.experimental.pallas import tpu as pltpu
from jax.experimental.pallas import tpu_sc as plsc

N = 84
NH = 256
DT = 0.1
NSTEP = 80
NP = 96
NCH = NP // 16
T = NH + NSTEP + 1

E0, KAPPA, GAMMA, TAU_O, ALPHA = 0.4, 0.65, 0.41, 0.98, 0.32
V0, K1, K2, K3 = 0.02, 2.8, 0.8, 0.48
BOLD_DT = DT / 10000.0
P1 = 1.0 / ALPHA
LOG_1ME0 = math.log(1.0 - E0)
LN2 = 0.6931471805599453
SQRT2 = 1.4142135623730951

_mesh = plsc.VectorSubcoreMesh(core_axis_name="c", subcore_axis_name="s")


def _vlog(v):
    bits = plsc.bitcast(v, jnp.int32)
    e = jnp.right_shift(bits, 23) & 0xFF
    m = plsc.bitcast((bits & 0x7FFFFF) | 0x3F800000, jnp.float32)
    big = m > SQRT2
    m = jnp.where(big, m * 0.5, m)
    ef = (e - 127).astype(jnp.float32) + jnp.where(big, 1.0, 0.0)
    t = (m - 1.0) / (m + 1.0)
    t2 = t * t
    lnm = 2.0 * t * (1.0 + t2 * (1.0 / 3.0 + t2 * (1.0 / 5.0 + t2 * (1.0 / 7.0))))
    return ef * LN2 + lnm


@functools.partial(
    pl.kernel,
    out_type=jax.ShapeDtypeStruct((2 * NP,), jnp.float32),
    mesh=_mesh,
    compiler_params=pltpu.CompilerParams(needs_layout_passes=False),
    scratch_types=[
        pltpu.VMEM((T * NP,), jnp.float32),
        pltpu.VMEM((N * 16,), jnp.float32),
        pltpu.VMEM((N * 16,), jnp.int32),
        pltpu.VMEM((NSTEP * NP,), jnp.float32),
        pltpu.VMEM((NSTEP * NP,), jnp.float32),
        pltpu.VMEM((4 * NP,), jnp.float32),
        pltpu.VMEM((2 * 16,), jnp.float32),
        pltpu.VMEM((2 * 16,), jnp.float32),
        pltpu.VMEM_SHARED((2 * NP,), jnp.float32),
        pltpu.SemaphoreType.DMA,
    ],
)
def _sc_integrate(w_hbm, base_hbm, dwx_hbm, dwy_hbm, misc_hbm, hist0_hbm,
                  out_hbm, hist_v, wb_v, bb_v, dwx_v, dwy_v, misc_v, st_v,
                  bold_v, stage, psem):
    cid = lax.axis_index("c")
    sid = lax.axis_index("s")
    work = jnp.logical_and(cid == 0, sid < NCH)

    @pl.when(work)
    def _setup():
        pltpu.sync_copy(w_hbm.at[pl.ds(sid * N * 16, N * 16)], wb_v)
        pltpu.sync_copy(base_hbm.at[pl.ds(sid * N * 16, N * 16)], bb_v)
        pltpu.sync_copy(dwx_hbm, dwx_v)
        pltpu.sync_copy(dwy_hbm, dwy_v)
        pltpu.sync_copy(misc_hbm, misc_v)
        pltpu.sync_copy(hist0_hbm, hist_v)
        st_v[pl.ds(0, 16)] = misc_v[pl.ds(2 * NP + sid * 16, 16)]
        st_v[pl.ds(16, 16)] = misc_v[pl.ds(3 * NP + sid * 16, 16)]

    def step(gs, carry):
        slot = (NH + 1 + gs) * NP
        bsel = lax.rem(gs, 2) * NP

        @pl.when(work)
        def _compute():
            for ci in range(NCH):
                hist_v[pl.ds(slot + ci * 16, 16)] = \
                    dwx_v[pl.ds(gs * NP + ci * 16, 16)]

            def gbody(k, acc):
                a1, a2 = acc
                for u in range(6):
                    off = k * (6 * 16) + u * 16
                    wv = wb_v[pl.ds(off, 16)]
                    iv = bb_v[pl.ds(off, 16)] + gs * NP
                    v1 = plsc.load_gather(hist_v, [iv])
                    v2 = plsc.load_gather(hist_v, [iv + NP])
                    a1 = a1 + wv * v1
                    a2 = a2 + wv * v2
                return a1, a2
            z = jnp.zeros((16,), jnp.float32)
            c1, c2 = lax.fori_loop(0, N // 6, gbody, (z, z))

            X = st_v[pl.ds(0, 16)]
            Y = st_v[pl.ds(16, 16)]
            av = misc_v[pl.ds(sid * 16, 16)]
            tv = misc_v[pl.ds(NP + sid * 16, 16)]
            dwx = dwx_v[pl.ds(gs * NP + sid * 16, 16)]
            dwy = dwy_v[pl.ds(gs * NP + sid * 16, 16)]
            dX1 = tv * (X - X * X * X / 3.0 + Y) + c1
            dY1 = (av - X) / tv
            xiX = X + DT * dX1 + dwx
            xiY = Y + DT * dY1 + dwy
            dX2 = tv * (xiX - xiX * xiX * xiX / 3.0 + xiY) + c2
            nX = X + (DT * 0.5) * (dX1 + dX2) + dwx
            st_v[pl.ds(0, 16)] = nX
            h = pltpu.async_copy(st_v.at[pl.ds(0, 16)],
                                 stage.at[pl.ds(bsel + sid * 16, 16)], psem)
            dY2 = (av - xiX) / tv
            nY = Y + (DT * 0.5) * (dY1 + dY2) + dwy
            st_v[pl.ds(16, 16)] = nY
            h.wait()

        plsc.subcore_barrier()

        @pl.when(work)
        def _collect():
            pltpu.sync_copy(stage.at[pl.ds(bsel, NP)],
                            hist_v.at[pl.ds(slot, NP)])
        return carry

    @pl.when(cid == 0)
    def _loop():
        lax.fori_loop(0, NSTEP, step, 0)

    @pl.when(work)
    def _bold():
        def dfun(st, x):
            s, f, v, q = st
            lv = _vlog(v)
            vp1 = jnp.exp(P1 * lv)
            vp2 = vp1 / v
            ds = x - KAPPA * s - GAMMA * (f - 1.0)
            dv = (f - vp1) / TAU_O
            dq = (f * (1.0 - jnp.exp(LOG_1ME0 / f)) / E0 - q * vp2) / TAU_O
            return ds, s, dv, dq

        def heun_b(i, st):
            x = hist_v[pl.ds((NH + 1) * NP + i * NP + sid * 16, 16)]
            d1 = dfun(st, x)
            xi = tuple(a + BOLD_DT * b for a, b in zip(st, d1))
            d2 = dfun(xi, x)
            return tuple(a + BOLD_DT * 0.5 * (b + c)
                         for a, b, c in zip(st, d1, d2))

        def bold_of(st):
            _, _, v, q = st
            return V0 * (K1 * (1.0 - q) + K2 * (1.0 - q / v) + K3 * (1.0 - v))

        one = jnp.ones((16,), jnp.float32)
        st = lax.fori_loop(0, 40, heun_b, (one, one, one, one))
        bold_v[pl.ds(0, 16)] = bold_of(st)
        st = lax.fori_loop(40, 80, heun_b, st)
        bold_v[pl.ds(16, 16)] = bold_of(st)
        pltpu.sync_copy(bold_v.at[pl.ds(0, 16)],
                        out_hbm.at[pl.ds(sid * 16, 16)])
        pltpu.sync_copy(bold_v.at[pl.ds(16, 16)],
                        out_hbm.at[pl.ds(NP + sid * 16, 16)])


def kernel(region_pars, g, Wt, lags, ix_lag_from, init_state, noise):
    f32 = jnp.float32
    W = Wt[:, :, 0] * g[0]
    W96 = jnp.zeros((NP, N), f32).at[:N].set(W)
    base = (NH - lags) * NP + ix_lag_from
    base96 = jnp.zeros((NP, N), jnp.int32).at[:N].set(base)
    w_rows = W96.reshape(NCH, 16, N).transpose(0, 2, 1).reshape(-1)
    b_rows = base96.reshape(NCH, 16, N).transpose(0, 2, 1).reshape(-1)
    dW = noise.reshape(NSTEP, N, 2) * f32(math.sqrt(DT) * 0.01)
    dwx = jnp.zeros((NSTEP, NP), f32).at[:, :N].set(dW[:, :, 0]).reshape(-1)
    dwy = jnp.zeros((NSTEP, NP), f32).at[:, :N].set(dW[:, :, 1]).reshape(-1)
    misc = jnp.zeros((4, NP), f32)
    misc = misc.at[0, :N].set(region_pars[:, 0])
    misc = misc.at[1].set(1.0)
    misc = misc.at[1, :N].set(region_pars[:, 1] + 1.0)
    misc = misc.at[2, :N].set(init_state[:, 0])
    misc = misc.at[3, :N].set(init_state[:, 1])
    hist0 = jnp.zeros((T, NP), f32)
    hist0 = hist0.at[:NH + 1, :N].set(
        jnp.broadcast_to(init_state[:, 0], (NH + 1, N)))

    bold = _sc_integrate(w_rows, b_rows, dwx, dwy,
                         misc.reshape(-1), hist0.reshape(-1))
    return bold.reshape(2, NP)[:, :N].reshape(2, N, 1)

# --- scband reference (transcript-rebuilt; emitter-appended) ---
"""Pipeline reference for scband-tvb-16071767621768 (READ-ONLY COPY).

The authoritative reference and input builder live on the scoring server;
editing this copy changes nothing except your own understanding.
"""

import jax, jax.numpy as jnp
import numpy as np

N = 84
NSV = 2
MAX_LAG = 256
DT = 0.1
STEPS = 10
N_CHUNKS = 8
BOLD_CHUNK = 40
E0 = 0.4
KAPPA = 0.65
GAMMA = 0.41
TAU_O = 0.98
ALPHA = 0.32
V0 = 0.02
K1 = 2.8
K2 = 0.8
K3 = 0.48
BOLD_DT = DT / 10000.0


def setup_inputs(seed: int = 0) -> dict:
    key = jax.random.key(seed)
    ks = jax.random.split(key, 7)
    region_pars = jax.random.uniform(ks[0], (N, NSV), dtype=jnp.float32)
    g = jax.random.uniform(ks[1], (1,), dtype=jnp.float32) * 0.05
    Wt = jax.random.uniform(ks[2], (N, N, 1), dtype=jnp.float32) / N
    lags = jax.random.randint(ks[3], (N, N), 0, MAX_LAG).astype(jnp.int32)
    ix_lag_from = jax.random.randint(ks[4], (N, N), 0, N).astype(jnp.int32)
    init_state = jax.random.uniform(ks[5], (N, NSV), dtype=jnp.float32)
    noise = jax.random.normal(ks[6], (N_CHUNKS, STEPS, N, NSV), dtype=jnp.float32)
    return {"region_pars": region_pars, "g": g, "Wt": Wt, "lags": lags,
            "ix_lag_from": ix_lag_from, "init_state": init_state, "noise": noise}


def reference(region_pars, g, Wt, lags, ix_lag_from, init_state, noise):
    nh = MAX_LAG

    def nmm(x, rp, c):
        # generic 2D oscillator neural mass model (FitzHugh-Nagumo-like)
        a = rp[:, 0]
        tau = rp[:, 1] + 1.0
        X = x[:, 0]
        Y = x[:, 1]
        dX = tau * (X - X ** 3 / 3.0 + Y) + c[:, 0]
        dY = (a - X) / tau
        return jnp.stack([dX, dY], axis=1)

    def delay_apply(t, buf):
        # core message-passing op: delayed gather + weighted reduce
        return (Wt * buf[t - lags, ix_lag_from, :]).sum(axis=1)

    def tvb_dfun(buf, x, t):
        coupled_x = delay_apply(t, buf[..., :NSV])
        coupling_term = coupled_x[:, :1]
        return nmm(x, region_pars, g[0] * coupling_term)

    def buffer_step(buf, inp):
        dWt, t = inp
        x = buf[nh + t]
        d1 = tvb_dfun(buf, x, nh + t)
        xi = x + DT * d1 + dWt
        d2 = tvb_dfun(buf, xi, nh + t + 1)
        nx = x + DT * 0.5 * (d1 + d2) + dWt
        buf = buf.at[nh + t + 1].set(nx)
        return buf, nx

    def chunk(buf, chunk_noise):
        buf = jnp.roll(buf, -STEPS, axis=0)
        dWt = chunk_noise * jnp.sqrt(DT) * 0.01
        buf = buf.at[nh + 1:].set(dWt)
        ts = jnp.arange(STEPS)
        buf, rv = jax.lax.scan(buffer_step, buf, (dWt, ts))
        return buf, rv

    buf0 = jnp.zeros((nh + STEPS + 1, N, NSV), dtype=jnp.float32)
    buf0 = buf0.at[STEPS:].add(init_state)
    buf, rvs = jax.lax.scan(chunk, buf0, noise)
    rv = rvs.reshape((-1, N, NSV))

    def bold_dfun(sfvq, x):
        s = sfvq[0]
        f = sfvq[1]
        v = sfvq[2]
        q = sfvq[3]
        ds = x - KAPPA * s - GAMMA * (f - 1.0)
        df = s
        dv = (f - v ** (1.0 / ALPHA)) / TAU_O
        dq = (f * (1.0 - (1.0 - E0) ** (1.0 / f)) / E0 - q * v ** (1.0 / ALPHA - 1.0)) / TAU_O
        return jnp.stack([ds, df, dv, dq])

    def heun_bold(state, x):
        d1 = bold_dfun(state, x)
        xi = state + BOLD_DT * d1
        d2 = bold_dfun(xi, x)
        nx = state + BOLD_DT * 0.5 * (d1 + d2)
        return nx, state

    def bold_monitor(bold_buf, rv_chunk):
        bold_buf, _ = jax.lax.scan(heun_bold, bold_buf, rv_chunk)
        s, f, v, q = bold_buf[0], bold_buf[1], bold_buf[2], bold_buf[3]
        bold = V0 * (K1 * (1.0 - q) + K2 * (1.0 - q / v) + K3 * (1.0 - v))
        return bold_buf, bold

    bold_buf0 = jnp.ones((4, N, 1), dtype=jnp.float32)
    rv_x = rv[:, :, 0].reshape((-1, BOLD_CHUNK, N, 1))
    _, bold = jax.lax.scan(bold_monitor, bold_buf0, rv_x)
    return bold

if __name__ == "__main__":
    import jax
    _d = setup_inputs()
    print(jax.jit(kernel)(*tuple(_d.values())))

</pallas_src>

<mosaic_0001>
#map = affine_map<(d0, d1) -> (0)>
module attributes {stable_mosaic.version = 14 : i64} {
  func.func @_sc_integrate(%arg0: i32, %arg1: i32, %arg2: memref<8064xf32, #tpu.memory_space<hbm>>, %arg3: memref<8064xi32, #tpu.memory_space<hbm>>, %arg4: memref<7680xf32, #tpu.memory_space<hbm>>, %arg5: memref<7680xf32, #tpu.memory_space<hbm>>, %arg6: memref<384xf32, #tpu.memory_space<hbm>>, %arg7: memref<32352xf32, #tpu.memory_space<hbm>>, %arg8: memref<192xf32, #tpu.memory_space<hbm>>, %arg9: memref<32352xf32, #tpu.memory_space<vmem>>, %arg10: memref<1344xf32, #tpu.memory_space<vmem>>, %arg11: memref<1344xi32, #tpu.memory_space<vmem>>, %arg12: memref<7680xf32, #tpu.memory_space<vmem>>, %arg13: memref<7680xf32, #tpu.memory_space<vmem>>, %arg14: memref<384xf32, #tpu.memory_space<vmem>>, %arg15: memref<32xf32, #tpu.memory_space<vmem>>, %arg16: memref<32xf32, #tpu.memory_space<vmem>>, %arg17: memref<192xf32, #tpu.memory_space<vmem_shared>>, %arg18: memref<!tpu.dma_semaphore, #tpu.memory_space<semaphore_mem>>) attributes {dimension_semantics = [#tpu.dimension_semantics<core_parallel>, #tpu.dimension_semantics<subcore_parallel>], iteration_bounds = array<i64: 2, 16>, scalar_prefetch = 0 : i64, scratch_operands = 10 : i64, tpu.core_type = #tpu.core_type<sc_vector_subcore>, window_params = [{transform_indices = #map}, {transform_indices = #map}, {transform_indices = #map}, {transform_indices = #map}, {transform_indices = #map}, {transform_indices = #map}, {transform_indices = #map}]} {
    %eq3A = arith.constant 0 : i32
    %eq3A_0 = arith.cmpi eq, %arg0, %eq3A : i32
    %lt3A = arith.constant 6 : i32
    %lt3A_1 = arith.cmpi slt, %arg1, %lt3A : i32
    %and3A = arith.andi %eq3A_0, %lt3A_1 : i1
    %convert_element_type3A = arith.extui %and3A : i1 to i32
    %cond3A = arith.constant 0 : i32
    %cond3A_2 = arith.cmpi ne, %convert_element_type3A, %cond3A : i32
    scf.if %cond3A_2 {
      %mul3A = arith.constant 84 : i32
      %mul3A_11 = arith.muli %arg1, %mul3A : i32
      %mul3A_12 = arith.constant 16 : i32
      %mul3A_13 = arith.muli %mul3A_11, %mul3A_12 : i32
      "tpu.region"() ({
        %run_scoped3A = tpu.sem_alloc : memref<!tpu.dma_semaphore, #tpu.memory_space<semaphore_mem>>
        %dma_start3A = tpu.memref_slice %arg2[%mul3A_13] : memref<8064xf32, #tpu.memory_space<hbm>> -> memref<1344xf32, #tpu.memory_space<hbm>>
        %dma_start3A_31 = tpu.memref_slice %arg2[%mul3A_13] : memref<8064xf32, #tpu.memory_space<hbm>> -> memref<1344xf32, #tpu.memory_space<hbm>>
        tpu.enqueue_dma source(%dma_start3A_31 : memref<1344xf32, #tpu.memory_space<hbm>>) target(%arg10 : memref<1344xf32, #tpu.memory_space<vmem>>) target_semaphore(%run_scoped3A : memref<!tpu.dma_semaphore, #tpu.memory_space<semaphore_mem>>)
        %dma_wait3A = tpu.memref_slice %arg2[%mul3A_13] : memref<8064xf32, #tpu.memory_space<hbm>> -> memref<1344xf32, #tpu.memory_space<hbm>>
        %dma_wait3A_32 = tpu.memref_slice %arg2[%mul3A_13] : memref<8064xf32, #tpu.memory_space<hbm>> -> memref<1344xf32, #tpu.memory_space<hbm>>
        tpu.wait_dma2 semaphore(%run_scoped3A : memref<!tpu.dma_semaphore, #tpu.memory_space<semaphore_mem>>) src(%dma_wait3A_32 : memref<1344xf32, #tpu.memory_space<hbm>>) dst(%arg10 : memref<1344xf32, #tpu.memory_space<vmem>>)
        tpu.yield
      }) : () -> ()
      %mul3A_14 = arith.constant 84 : i32
      %mul3A_15 = arith.muli %arg1, %mul3A_14 : i32
      %mul3A_16 = arith.constant 16 : i32
      %mul3A_17 = arith.muli %mul3A_15, %mul3A_16 : i32
      "tpu.region"() ({
        %run_scoped3A = tpu.sem_alloc : memref<!tpu.dma_semaphore, #tpu.memory_space<semaphore_mem>>
        %dma_start3A = tpu.memref_slice %arg3[%mul3A_17] : memref<8064xi32, #tpu.memory_space<hbm>> -> memref<1344xi32, #tpu.memory_space<hbm>>
        %dma_start3A_31 = tpu.memref_slice %arg3[%mul3A_17] : memref<8064xi32, #tpu.memory_space<hbm>> -> memref<1344xi32, #tpu.memory_space<hbm>>
        tpu.enqueue_dma source(%dma_start3A_31 : memref<1344xi32, #tpu.memory_space<hbm>>) target(%arg11 : memref<1344xi32, #tpu.memory_space<vmem>>) target_semaphore(%run_scoped3A : memref<!tpu.dma_semaphore, #tpu.memory_space<semaphore_mem>>)
        %dma_wait3A = tpu.memref_slice %arg3[%mul3A_17] : memref<8064xi32, #tpu.memory_space<hbm>> -> memref<1344xi32, #tpu.memory_space<hbm>>
        %dma_wait3A_32 = tpu.memref_slice %arg3[%mul3A_17] : memref<8064xi32, #tpu.memory_space<hbm>> -> memref<1344xi32, #tpu.memory_space<hbm>>
        tpu.wait_dma2 semaphore(%run_scoped3A : memref<!tpu.dma_semaphore, #tpu.memory_space<semaphore_mem>>) src(%dma_wait3A_32 : memref<1344xi32, #tpu.memory_space<hbm>>) dst(%arg11 : memref<1344xi32, #tpu.memory_space<vmem>>)
        tpu.yield
      }) : () -> ()
      "tpu.region"() ({
        %run_scoped3A = tpu.sem_alloc : memref<!tpu.dma_semaphore, #tpu.memory_space<semaphore_mem>>
        tpu.enqueue_dma source(%arg4 : memref<7680xf32, #tpu.memory_space<hbm>>) target(%arg12 : memref<7680xf32, #tpu.memory_space<vmem>>) target_semaphore(%run_scoped3A : memref<!tpu.dma_semaphore, #tpu.memory_space<semaphore_mem>>)
        tpu.wait_dma2 semaphore(%run_scoped3A : memref<!tpu.dma_semaphore, #tpu.memory_space<semaphore_mem>>) src(%arg4 : memref<7680xf32, #tpu.memory_space<hbm>>) dst(%arg12 : memref<7680xf32, #tpu.memory_space<vmem>>)
        tpu.yield
      }) : () -> ()
      "tpu.region"() ({
        %run_scoped3A = tpu.sem_alloc : memref<!tpu.dma_semaphore, #tpu.memory_space<semaphore_mem>>
        tpu.enqueue_dma source(%arg5 : memref<7680xf32, #tpu.memory_space<hbm>>) target(%arg13 : memref<7680xf32, #tpu.memory_space<vmem>>) target_semaphore(%run_scoped3A : memref<!tpu.dma_semaphore, #tpu.memory_space<semaphore_mem>>)
        tpu.wait_dma2 semaphore(%run_scoped3A : memref<!tpu.dma_semaphore, #tpu.memory_space<semaphore_mem>>) src(%arg5 : memref<7680xf32, #tpu.memory_space<hbm>>) dst(%arg13 : memref<7680xf32, #tpu.memory_space<vmem>>)
        tpu.yield
      }) : () -> ()
      "tpu.region"() ({
        %run_scoped3A = tpu.sem_alloc : memref<!tpu.dma_semaphore, #tpu.memory_space<semaphore_mem>>
        tpu.enqueue_dma source(%arg6 : memref<384xf32, #tpu.memory_space<hbm>>) target(%arg14 : memref<384xf32, #tpu.memory_space<vmem>>) target_semaphore(%run_scoped3A : memref<!tpu.dma_semaphore, #tpu.memory_space<semaphore_mem>>)
        tpu.wait_dma2 semaphore(%run_scoped3A : memref<!tpu.dma_semaphore, #tpu.memory_space<semaphore_mem>>) src(%arg6 : memref<384xf32, #tpu.memory_space<hbm>>) dst(%arg14 : memref<384xf32, #tpu.memory_space<vmem>>)
        tpu.yield
      }) : () -> ()
      "tpu.region"() ({
        %run_scoped3A = tpu.sem_alloc : memref<!tpu.dma_semaphore, #tpu.memory_space<semaphore_mem>>
        tpu.enqueue_dma source(%arg7 : memref<32352xf32, #tpu.memory_space<hbm>>) target(%arg9 : memref<32352xf32, #tpu.memory_space<vmem>>) target_semaphore(%run_scoped3A : memref<!tpu.dma_semaphore, #tpu.memory_space<semaphore_mem>>)
        tpu.wait_dma2 semaphore(%run_scoped3A : memref<!tpu.dma_semaphore, #tpu.memory_space<semaphore_mem>>) src(%arg7 : memref<32352xf32, #tpu.memory_space<hbm>>) dst(%arg9 : memref<32352xf32, #tpu.memory_space<vmem>>)
        tpu.yield
      }) : () -> ()
      %mul3A_18 = arith.constant 16 : i32
      %mul3A_19 = arith.muli %arg1, %mul3A_18 : i32
      %add3A = arith.constant 192 : i32
      %add3A_20 = arith.addi %add3A, %mul3A_19 : i32
      %get3A = arith.index_cast %add3A_20 : i32 to index
      %get3A_21 = tpu.vector_load %arg14[%get3A] {strides = array<i32>} : memref<384xf32, #tpu.memory_space<vmem>>, vector<16xf32>,
      %swap3A = arith.constant 0 : index
      %swap3A_22 = tpu.vector_load %arg15[%swap3A] {strides = array<i32>} : memref<32xf32, #tpu.memory_space<vmem>>, vector<16xf32>,
      tpu.vector_store %arg15[%swap3A], %get3A_21 {strides = array<i32>} : memref<32xf32, #tpu.memory_space<vmem>>, vector<16xf32>,
      %mul3A_23 = arith.constant 16 : i32
      %mul3A_24 = arith.muli %arg1, %mul3A_23 : i32
      %add3A_25 = arith.constant 288 : i32
      %add3A_26 = arith.addi %add3A_25, %mul3A_24 : i32
      %get3A_27 = arith.index_cast %add3A_26 : i32 to index
      %get3A_28 = tpu.vector_load %arg14[%get3A_27] {strides = array<i32>} : memref<384xf32, #tpu.memory_space<vmem>>, vector<16xf32>,
      %swap3A_29 = arith.constant 16 : index
      %swap3A_30 = tpu.vector_load %arg15[%swap3A_29] {strides = array<i32>} : memref<32xf32, #tpu.memory_space<vmem>>, vector<16xf32>,
      tpu.vector_store %arg15[%swap3A_29], %get3A_28 {strides = array<i32>} : memref<32xf32, #tpu.memory_space<vmem>>, vector<16xf32>,
    } else {
    }
    %eq3A_3 = arith.constant 0 : i32
    %eq3A_4 = arith.cmpi eq, %arg0, %eq3A_3 : i32
    %convert_element_type3A_5 = arith.extui %eq3A_4 : i1 to i32
    %cond3A_6 = arith.constant 0 : i32
    %cond3A_7 = arith.cmpi ne, %convert_element_type3A_5, %cond3A_6 : i32
    scf.if %cond3A_7 {
      %scan3A = arith.constant 0 : i32
      %scan3A_11 = arith.constant 0 : i32
      %scan3A_12 = arith.constant 80 : i32
      %scan3A_13 = arith.addi %scan3A_11, %scan3A_12 : i32
      %scan3A_14 = arith.constant 1 : i32
      scf.for %scan3A_16 = %scan3A_11 to %scan3A_13 step %scan3A_14  : i32 {
        %add3A = arith.constant 257 : i32
        %add3A_17 = arith.addi %add3A, %scan3A_16 : i32
        %mul3A = arith.constant 96 : i32
        %mul3A_18 = arith.muli %add3A_17, %mul3A : i32
        %rem3A = arith.constant 2 : i32
        %rem3A_19 = arith.remsi %scan3A_16, %rem3A : i32
        %mul3A_20 = arith.constant 96 : i32
        %mul3A_21 = arith.muli %rem3A_19, %mul3A_20 : i32
        %convert_element_type3A_22 = arith.extui %and3A : i1 to i32
        %cond3A_23 = arith.constant 0 : i32
        %cond3A_24 = arith.cmpi ne, %convert_element_type3A_22, %cond3A_23 : i32
        scf.if %cond3A_24 {
          %mul3A_28 = arith.constant 96 : i32
          %mul3A_29 = arith.muli %scan3A_16, %mul3A_28 : i32
          %add3A_30 = arith.constant 0 : i32
          %add3A_31 = arith.addi %mul3A_29, %add3A_30 : i32
          %get3A = arith.index_cast %add3A_31 : i32 to index
          %get3A_32 = tpu.vector_load %arg12[%get3A] {strides = array<i32>} : memref<7680xf32, #tpu.memory_space<vmem>>, vector<16xf32>,
          %add3A_33 = arith.constant 0 : i32
          %add3A_34 = arith.addi %mul3A_18, %add3A_33 : i32
          %swap3A = arith.index_cast %add3A_34 : i32 to index
          %swap3A_35 = tpu.vector_load %arg9[%swap3A] {strides = array<i32>} : memref<32352xf32, #tpu.memory_space<vmem>>, vector<16xf32>,
          tpu.vector_store %arg9[%swap3A], %get3A_32 {strides = array<i32>} : memref<32352xf32, #tpu.memory_space<vmem>>, vector<16xf32>,
          %mul3A_36 = arith.constant 96 : i32
          %mul3A_37 = arith.muli %scan3A_16, %mul3A_36 : i32
          %add3A_38 = arith.constant 16 : i32
          %add3A_39 = arith.addi %mul3A_37, %add3A_38 : i32
          %get3A_40 = arith.index_cast %add3A_39 : i32 to index
          %get3A_41 = tpu.vector_load %arg12[%get3A_40] {strides = array<i32>} : memref<7680xf32, #tpu.memory_space<vmem>>, vector<16xf32>,
          %add3A_42 = arith.constant 16 : i32
          %add3A_43 = arith.addi %mul3A_18, %add3A_42 : i32
          %swap3A_44 = arith.index_cast %add3A_43 : i32 to index
          %swap3A_45 = tpu.vector_load %arg9[%swap3A_44] {strides = array<i32>} : memref<32352xf32, #tpu.memory_space<vmem>>, vector<16xf32>,
          tpu.vector_store %arg9[%swap3A_44], %get3A_41 {strides = array<i32>} : memref<32352xf32, #tpu.memory_space<vmem>>, vector<16xf32>,
          %mul3A_46 = arith.constant 96 : i32
          %mul3A_47 = arith.muli %scan3A_16, %mul3A_46 : i32
          %add3A_48 = arith.constant 32 : i32
          %add3A_49 = arith.addi %mul3A_47, %add3A_48 : i32
          %get3A_50 = arith.index_cast %add3A_49 : i32 to index
          %get3A_51 = tpu.vector_load %arg12[%get3A_50] {strides = array<i32>} : memref<7680xf32, #tpu.memory_space<vmem>>, vector<16xf32>,
          %add3A_52 = arith.constant 32 : i32
          %add3A_53 = arith.addi %mul3A_18, %add3A_52 : i32
          %swap3A_54 = arith.index_cast %add3A_53 : i32 to index
          %swap3A_55 = tpu.vector_load %arg9[%swap3A_54] {strides = array<i32>} : memref<32352xf32, #tpu.memory_space<vmem>>, vector<16xf32>,
          tpu.vector_store %arg9[%swap3A_54], %get3A_51 {strides = array<i32>} : memref<32352xf32, #tpu.memory_space<vmem>>, vector<16xf32>,
          %mul3A_56 = arith.constant 96 : i32
          %mul3A_57 = arith.muli %scan3A_16, %mul3A_56 : i32
          %add3A_58 = arith.constant 48 : i32
          %add3A_59 = arith.addi %mul3A_57, %add3A_58 : i32
          %get3A_60 = arith.index_cast %add3A_59 : i32 to index
          %get3A_61 = tpu.vector_load %arg12[%get3A_60] {strides = array<i32>} : memref<7680xf32, #tpu.memory_space<vmem>>, vector<16xf32>,
          %add3A_62 = arith.constant 48 : i32
          %add3A_63 = arith.addi %mul3A_18, %add3A_62 : i32
          %swap3A_64 = arith.index_cast %add3A_63 : i32 to index
          %swap3A_65 = tpu.vector_load %arg9[%swap3A_64] {strides = array<i32>} : memref<32352xf32, #tpu.memory_space<vmem>>, vector<16xf32>,
          tpu.vector_store %arg9[%swap3A_64], %get3A_61 {strides = array<i32>} : memref<32352xf32, #tpu.memory_space<vmem>>, vector<16xf32>,
          %mul3A_66 = arith.constant 96 : i32
          %mul3A_67 = arith.muli %scan3A_16, %mul3A_66 : i32
          %add3A_68 = arith.constant 64 : i32
          %add3A_69 = arith.addi %mul3A_67, %add3A_68 : i32
          %get3A_70 = arith.index_cast %add3A_69 : i32 to index
          %get3A_71 = tpu.vector_load %arg12[%get3A_70] {strides = array<i32>} : memref<7680xf32, #tpu.memory_space<vmem>>, vector<16xf32>,
          %add3A_72 = arith.constant 64 : i32
          %add3A_73 = arith.addi %mul3A_18, %add3A_72 : i32
          %swap3A_74 = arith.index_cast %add3A_73 : i32 to index
          %swap3A_75 = tpu.vector_load %arg9[%swap3A_74] {strides = array<i32>} : memref<32352xf32, #tpu.memory_space<vmem>>, vector<16xf32>,
          tpu.vector_store %arg9[%swap3A_74], %get3A_71 {strides = array<i32>} : memref<32352xf32, #tpu.memory_space<vmem>>, vector<16xf32>,
          %mul3A_76 = arith.constant 96 : i32
          %mul3A_77 = arith.muli %scan3A_16, %mul3A_76 : i32
          %add3A_78 = arith.constant 80 : i32
          %add3A_79 = arith.addi %mul3A_77, %add3A_78 : i32
          %get3A_80 = arith.index_cast %add3A_79 : i32 to index
          %get3A_81 = tpu.vector_load %arg12[%get3A_80] {strides = array<i32>} : memref<7680xf32, #tpu.memory_space<vmem>>, vector<16xf32>,
          %add3A_82 = arith.constant 80 : i32
          %add3A_83 = arith.addi %mul3A_18, %add3A_82 : i32
          %swap3A_84 = arith.index_cast %add3A_83 : i32 to index
          %swap3A_85 = tpu.vector_load %arg9[%swap3A_84] {strides = array<i32>} : memref<32352xf32, #tpu.memory_space<vmem>>, vector<16xf32>,
          tpu.vector_store %arg9[%swap3A_84], %get3A_81 {strides = array<i32>} : memref<32352xf32, #tpu.memory_space<vmem>>, vector<16xf32>,
          %broadcast_in_dim3A = arith.constant 0.000000e+00 : f32
          %broadcast_in_dim3A_86 = vector.broadcast %broadcast_in_dim3A : f32 to vector<16xf32>
          %scan3A_87 = arith.constant 0 : i32
          %scan3A_88 = arith.constant 14 : i32
          %scan3A_89 = arith.addi %scan3A_87, %scan3A_88 : i32
          %scan3A_90 = arith.constant 1 : i32
          %scan3A_91:2 = scf.for %scan3A_180 = %scan3A_87 to %scan3A_89 step %scan3A_90 iter_args(%scan3A_181 = %broadcast_in_dim3A_86, %scan3A_182 = %broadcast_in_dim3A_86) -> (vector<16xf32>, vector<16xf32>)  : i32 {
            %mul3A_183 = arith.constant 96 : i32
            %mul3A_184 = arith.muli %scan3A_180, %mul3A_183 : i32
            %add3A_185 = arith.constant 0 : i32
            %add3A_186 = arith.addi %mul3A_184, %add3A_185 : i32
            %get3A_187 = arith.index_cast %add3A_186 : i32 to index
            %get3A_188 = tpu.vector_load %arg10[%get3A_187] {strides = array<i32>} : memref<1344xf32, #tpu.memory_space<vmem>>, vector<16xf32>,
            %get3A_189 = arith.index_cast %add3A_186 : i32 to index
            %get3A_190 = tpu.vector_load %arg11[%get3A_189] {strides = array<i32>} : memref<1344xi32, #tpu.memory_space<vmem>>, vector<16xi32>,
            %mul3A_191 = arith.constant 96 : i32
            %mul3A_192 = arith.muli %scan3A_16, %mul3A_191 : i32
            %add3A_193 = vector.broadcast %mul3A_192 : i32 to vector<16xi32>
            %add3A_194 = arith.addi %get3A_190, %add3A_193 : vector<16xi32>
            %gather3A = tpu.vector_load_idx %arg9[%add3A_194] : memref<32352xf32, #tpu.memory_space<vmem>>[vector<16xi32>], vector<16xf32>,
            %add3A_195 = arith.constant 96 : i32
            %add3A_196 = vector.broadcast %add3A_195 : i32 to vector<16xi32>
            %add3A_197 = arith.addi %add3A_194, %add3A_196 : vector<16xi32>
            %gather3A_198 = tpu.vector_load_idx %arg9[%add3A_197] : memref<32352xf32, #tpu.memory_space<vmem>>[vector<16xi32>], vector<16xf32>,
            %mul3A_199 = arith.mulf %get3A_188, %gather3A : vector<16xf32>
            %add3A_200 = arith.addf %scan3A_181, %mul3A_199 : vector<16xf32>
            %mul3A_201 = arith.mulf %get3A_188, %gather3A_198 : vector<16xf32>
            %add3A_202 = arith.addf %scan3A_182, %mul3A_201 : vector<16xf32>
            %mul3A_203 = arith.constant 96 : i32
            %mul3A_204 = arith.muli %scan3A_180, %mul3A_203 : i32
            %add3A_205 = arith.constant 16 : i32
            %add3A_206 = arith.addi %mul3A_204, %add3A_205 : i32
            %get3A_207 = arith.index_cast %add3A_206 : i32 to index
            %get3A_208 = tpu.vector_load %arg10[%get3A_207] {strides = array<i32>} : memref<1344xf32, #tpu.memory_space<vmem>>, vector<16xf32>,
            %get3A_209 = arith.index_cast %add3A_206 : i32 to index
            %get3A_210 = tpu.vector_load %arg11[%get3A_209] {strides = array<i32>} : memref<1344xi32, #tpu.memory_space<vmem>>, vector<16xi32>,
            %mul3A_211 = arith.constant 96 : i32
            %mul3A_212 = arith.muli %scan3A_16, %mul3A_211 : i32
            %add3A_213 = vector.broadcast %mul3A_212 : i32 to vector<16xi32>
            %add3A_214 = arith.addi %get3A_210, %add3A_213 : vector<16xi32>
            %gather3A_215 = tpu.vector_load_idx %arg9[%add3A_214] : memref<32352xf32, #tpu.memory_space<vmem>>[vector<16xi32>], vector<16xf32>,
            %add3A_216 = arith.constant 96 : i32
            %add3A_217 = vector.broadcast %add3A_216 : i32 to vector<16xi32>
            %add3A_218 = arith.addi %add3A_214, %add3A_217 : vector<16xi32>
            %gather3A_219 = tpu.vector_load_idx %arg9[%add3A_218] : memref<32352xf32, #tpu.memory_space<vmem>>[vector<16xi32>], vector<16xf32>,
            %mul3A_220 = arith.mulf %get3A_208, %gather3A_215 : vector<16xf32>
            %add3A_221 = arith.addf %add3A_200, %mul3A_220 : vector<16xf32>
            %mul3A_222 = arith.mulf %get3A_208, %gather3A_219 : vector<16xf32>
            %add3A_223 = arith.addf %add3A_202, %mul3A_222 : vector<16xf32>
            %mul3A_224 = arith.constant 96 : i32
            %mul3A_225 = arith.muli %scan3A_180, %mul3A_224 : i32
            %add3A_226 = arith.constant 32 : i32
            %add3A_227 = arith.addi %mul3A_225, %add3A_226 : i32
            %get3A_228 = arith.index_cast %add3A_227 : i32 to index
            %get3A_229 = tpu.vector_load %arg10[%get3A_228] {strides = array<i32>} : memref<1344xf32, #tpu.memory_space<vmem>>, vector<16xf32>,
            %get3A_230 = arith.index_cast %add3A_227 : i32 to index
            %get3A_231 = tpu.vector_load %arg11[%get3A_230] {strides = array<i32>} : memref<1344xi32, #tpu.memory_space<vmem>>, vector<16xi32>,
            %mul3A_232 = arith.constant 96 : i32
            %mul3A_233 = arith.muli %scan3A_16, %mul3A_232 : i32
            %add3A_234 = vector.broadcast %mul3A_233 : i32 to vector<16xi32>
            %add3A_235 = arith.addi %get3A_231, %add3A_234 : vector<16xi32>
            %gather3A_236 = tpu.vector_load_idx %arg9[%add3A_235] : memref<32352xf32, #tpu.memory_space<vmem>>[vector<16xi32>], vector<16xf32>,
            %add3A_237 = arith.constant 96 : i32
            %add3A_238 = vector.broadcast %add3A_237 : i32 to vector<16xi32>
            %add3A_239 = arith.addi %add3A_235, %add3A_238 : vector<16xi32>
            %gather3A_240 = tpu.vector_load_idx %arg9[%add3A_239] : memref<32352xf32, #tpu.memory_space<vmem>>[vector<16xi32>], vector<16xf32>,
            %mul3A_241 = arith.mulf %get3A_229, %gather3A_236 : vector<16xf32>
            %add3A_242 = arith.addf %add3A_221, %mul3A_241 : vector<16xf32>
            %mul3A_243 = arith.mulf %get3A_229, %gather3A_240 : vector<16xf32>
            %add3A_244 = arith.addf %add3A_223, %mul3A_243 : vector<16xf32>
            %mul3A_245 = arith.constant 96 : i32
            %mul3A_246 = arith.muli %scan3A_180, %mul3A_245 : i32
            %add3A_247 = arith.constant 48 : i32
            %add3A_248 = arith.addi %mul3A_246, %add3A_247 : i32
            %get3A_249 = arith.index_cast %add3A_248 : i32 to index
            %get3A_250 = tpu.vector_load %arg10[%get3A_249] {strides = array<i32>} : memref<1344xf32, #tpu.memory_space<vmem>>, vector<16xf32>,
            %get3A_251 = arith.index_cast %add3A_248 : i32 to index
            %get3A_252 = tpu.vector_load %arg11[%get3A_251] {strides = array<i32>} : memref<1344xi32, #tpu.memory_space<vmem>>, vector<16xi32>,
            %mul3A_253 = arith.constant 96 : i32
            %mul3A_254 = arith.muli %scan3A_16, %mul3A_253 : i32
            %add3A_255 = vector.broadcast %mul3A_254 : i32 to vector<16xi32>
            %add3A_256 = arith.addi %get3A_252, %add3A_255 : vector<16xi32>
            %gather3A_257 = tpu.vector_load_idx %arg9[%add3A_256] : memref<32352xf32, #tpu.memory_space<vmem>>[vector<16xi32>], vector<16xf32>,
            %add3A_258 = arith.constant 96 : i32
            %add3A_259 = vector.broadcast %add3A_258 : i32 to vector<16xi32>
            %add3A_260 = arith.addi %add3A_256, %add3A_259 : vector<16xi32>
            %gather3A_261 = tpu.vector_load_idx %arg9[%add3A_260] : memref<32352xf32, #tpu.memory_space<vmem>>[vector<16xi32>], vector<16xf32>,
            %mul3A_262 = arith.mulf %get3A_250, %gather3A_257 : vector<16xf32>
            %add3A_263 = arith.addf %add3A_242, %mul3A_262 : vector<16xf32>
            %mul3A_264 = arith.mulf %get3A_250, %gather3A_261 : vector<16xf32>
            %add3A_265 = arith.addf %add3A_244, %mul3A_264 : vector<16xf32>
            %mul3A_266 = arith.constant 96 : i32
            %mul3A_267 = arith.muli %scan3A_180, %mul3A_266 : i32
            %add3A_268 = arith.constant 64 : i32
            %add3A_269 = arith.addi %mul3A_267, %add3A_268 : i32
            %get3A_270 = arith.index_cast %add3A_269 : i32 to index
            %get3A_271 = tpu.vector_load %arg10[%get3A_270] {strides = array<i32>} : memref<1344xf32, #tpu.memory_space<vmem>>, vector<16xf32>,
            %get3A_272 = arith.index_cast %add3A_269 : i32 to index
            %get3A_273 = tpu.vector_load %arg11[%get3A_272] {strides = array<i32>} : memref<1344xi32, #tpu.memory_space<vmem>>, vector<16xi32>,
            %mul3A_274 = arith.constant 96 : i32
            %mul3A_275 = arith.muli %scan3A_16, %mul3A_274 : i32
            %add3A_276 = vector.broadcast %mul3A_275 : i32 to vector<16xi32>
            %add3A_277 = arith.addi %get3A_273, %add3A_276 : vector<16xi32>
            %gather3A_278 = tpu.vector_load_idx %arg9[%add3A_277] : memref<32352xf32, #tpu.memory_space<vmem>>[vector<16xi32>], vector<16xf32>,
            %add3A_279 = arith.constant 96 : i32
            %add3A_280 = vector.broadcast %add3A_279 : i32 to vector<16xi32>
            %add3A_281 = arith.addi %add3A_277, %add3A_280 : vector<16xi32>
            %gather3A_282 = tpu.vector_load_idx %arg9[%add3A_281] : memref<32352xf32, #tpu.memory_space<vmem>>[vector<16xi32>], vector<16xf32>,
            %mul3A_283 = arith.mulf %get3A_271, %gather3A_278 : vector<16xf32>
            %add3A_284 = arith.addf %add3A_263, %mul3A_283 : vector<16xf32>
            %mul3A_285 = arith.mulf %get3A_271, %gather3A_282 : vector<16xf32>
            %add3A_286 = arith.addf %add3A_265, %mul3A_285 : vector<16xf32>
            %mul3A_287 = arith.constant 96 : i32
            %mul3A_288 = arith.muli %scan3A_180, %mul3A_287 : i32
            %add3A_289 = arith.constant 80 : i32
            %add3A_290 = arith.addi %mul3A_288, %add3A_289 : i32
            %get3A_291 = arith.index_cast %add3A_290 : i32 to index
            %get3A_292 = tpu.vector_load %arg10[%get3A_291] {strides = array<i32>} : memref<1344xf32, #tpu.memory_space<vmem>>, vector<16xf32>,
            %get3A_293 = arith.index_cast %add3A_290 : i32 to index
            %get3A_294 = tpu.vector_load %arg11[%get3A_293] {strides = array<i32>} : memref<1344xi32, #tpu.memory_space<vmem>>, vector<16xi32>,
            %mul3A_295 = arith.constant 96 : i32
            %mul3A_296 = arith.muli %scan3A_16, %mul3A_295 : i32
            %add3A_297 = vector.broadcast %mul3A_296 : i32 to vector<16xi32>
            %add3A_298 = arith.addi %get3A_294, %add3A_297 : vector<16xi32>
            %gather3A_299 = tpu.vector_load_idx %arg9[%add3A_298] : memref<32352xf32, #tpu.memory_space<vmem>>[vector<16xi32>], vector<16xf32>,
            %add3A_300 = arith.constant 96 : i32
            %add3A_301 = vector.broadcast %add3A_300 : i32 to vector<16xi32>
            %add3A_302 = arith.addi %add3A_298, %add3A_301 : vector<16xi32>
            %gather3A_303 = tpu.vector_load_idx %arg9[%add3A_302] : memref<32352xf32, #tpu.memory_space<vmem>>[vector<16xi32>], vector<16xf32>,
            %mul3A_304 = arith.mulf %get3A_292, %gather3A_299 : vector<16xf32>
            %add3A_305 = arith.addf %add3A_284, %mul3A_304 : vector<16xf32>
            %mul3A_306 = arith.mulf %get3A_292, %gather3A_303 : vector<16xf32>
            %add3A_307 = arith.addf %add3A_286, %mul3A_306 : vector<16xf32>
            scf.yield %add3A_305, %add3A_307 : vector<16xf32>, vector<16xf32>
          }
          %scan3A_92 = arith.constant 14 : i32
          %get3A_93 = arith.constant 0 : index
          %get3A_94 = tpu.vector_load %arg15[%get3A_93] {strides = array<i32>} : memref<32xf32, #tpu.memory_space<vmem>>, vector<16xf32>,
          %get3A_95 = arith.constant 16 : index
          %get3A_96 = tpu.vector_load %arg15[%get3A_95] {strides = array<i32>} : memref<32xf32, #tpu.memory_space<vmem>>, vector<16xf32>,
          %mul3A_97 = arith.constant 16 : i32
          %mul3A_98 = arith.muli %arg1, %mul3A_97 : i32
          %get3A_99 = arith.index_cast %mul3A_98 : i32 to index
          %get3A_100 = tpu.vector_load %arg14[%get3A_99] {strides = array<i32>} : memref<384xf32, #tpu.memory_space<vmem>>, vector<16xf32>,
          %mul3A_101 = arith.constant 16 : i32
          %mul3A_102 = arith.muli %arg1, %mul3A_101 : i32
          %add3A_103 = arith.constant 96 : i32
          %add3A_104 = arith.addi %add3A_103, %mul3A_102 : i32
          %get3A_105 = arith.index_cast %add3A_104 : i32 to index
          %get3A_106 = tpu.vector_load %arg14[%get3A_105] {strides = array<i32>} : memref<384xf32, #tpu.memory_space<vmem>>, vector<16xf32>,
          %mul3A_107 = arith.constant 96 : i32
          %mul3A_108 = arith.muli %scan3A_16, %mul3A_107 : i32
          %mul3A_109 = arith.constant 16 : i32
          %mul3A_110 = arith.muli %arg1, %mul3A_109 : i32
          %add3A_111 = arith.addi %mul3A_108, %mul3A_110 : i32
          %get3A_112 = arith.index_cast %add3A_111 : i32 to index
          %get3A_113 = tpu.vector_load %arg12[%get3A_112] {strides = array<i32>} : memref<7680xf32, #tpu.memory_space<vmem>>, vector<16xf32>,
          %mul3A_114 = arith.constant 96 : i32
          %mul3A_115 = arith.muli %scan3A_16, %mul3A_114 : i32
          %mul3A_116 = arith.constant 16 : i32
          %mul3A_117 = arith.muli %arg1, %mul3A_116 : i32
          %add3A_118 = arith.addi %mul3A_115, %mul3A_117 : i32
          %get3A_119 = arith.index_cast %add3A_118 : i32 to index
          %get3A_120 = tpu.vector_load %arg13[%get3A_119] {strides = array<i32>} : memref<7680xf32, #tpu.memory_space<vmem>>, vector<16xf32>,
          %mul3A_121 = arith.mulf %get3A_94, %get3A_94 : vector<16xf32>
          %mul3A_122 = arith.mulf %mul3A_121, %get3A_94 : vector<16xf32>
          %div3A = arith.constant 3.000000e+00 : f32
          %div3A_123 = vector.broadcast %div3A : f32 to vector<16xf32>
          %div3A_124 = arith.divf %mul3A_122, %div3A_123 : vector<16xf32>
          %sub3A = arith.subf %get3A_94, %div3A_124 : vector<16xf32>
          %add3A_125 = arith.addf %sub3A, %get3A_96 : vector<16xf32>
          %mul3A_126 = arith.mulf %get3A_106, %add3A_125 : vector<16xf32>
          %add3A_127 = arith.addf %mul3A_126, %scan3A_91#0 : vector<16xf32>
          %sub3A_128 = arith.subf %get3A_100, %get3A_94 : vector<16xf32>
          %div3A_129 = arith.divf %sub3A_128, %get3A_106 : vector<16xf32>
          %mul3A_130 = arith.constant 1.000000e-01 : f32
          %mul3A_131 = vector.broadcast %mul3A_130 : f32 to vector<16xf32>
          %mul3A_132 = arith.mulf %mul3A_131, %add3A_127 : vector<16xf32>
          %add3A_133 = arith.addf %get3A_94, %mul3A_132 : vector<16xf32>
          %add3A_134 = arith.addf %add3A_133, %get3A_113 : vector<16xf32>
          %mul3A_135 = arith.constant 1.000000e-01 : f32
          %mul3A_136 = vector.broadcast %mul3A_135 : f32 to vector<16xf32>
          %mul3A_137 = arith.mulf %mul3A_136, %div3A_129 : vector<16xf32>
          %add3A_138 = arith.addf %get3A_96, %mul3A_137 : vector<16xf32>
          %add3A_139 = arith.addf %add3A_138, %get3A_120 : vector<16xf32>
          %mul3A_140 = arith.mulf %add3A_134, %add3A_134 : vector<16xf32>
          %mul3A_141 = arith.mulf %mul3A_140, %add3A_134 : vector<16xf32>
          %div3A_142 = arith.constant 3.000000e+00 : f32
          %div3A_143 = vector.broadcast %div3A_142 : f32 to vector<16xf32>
          %div3A_144 = arith.divf %mul3A_141, %div3A_143 : vector<16xf32>
          %sub3A_145 = arith.subf %add3A_134, %div3A_144 : vector<16xf32>
          %add3A_146 = arith.addf %sub3A_145, %add3A_139 : vector<16xf32>
          %mul3A_147 = arith.mulf %get3A_106, %add3A_146 : vector<16xf32>
          %add3A_148 = arith.addf %mul3A_147, %scan3A_91#1 : vector<16xf32>
          %add3A_149 = arith.addf %add3A_127, %add3A_148 : vector<16xf32>
          %mul3A_150 = arith.constant 5.000000e-02 : f32
          %mul3A_151 = vector.broadcast %mul3A_150 : f32 to vector<16xf32>
          %mul3A_152 = arith.mulf %mul3A_151, %add3A_149 : vector<16xf32>
          %add3A_153 = arith.addf %get3A_94, %mul3A_152 : vector<16xf32>
          %add3A_154 = arith.addf %add3A_153, %get3A_113 : vector<16xf32>
          %swap3A_155 = arith.constant 0 : index
          %swap3A_156 = tpu.vector_load %arg15[%swap3A_155] {strides = array<i32>} : memref<32xf32, #tpu.memory_space<vmem>>, vector<16xf32>,
          tpu.vector_store %arg15[%swap3A_155], %add3A_154 {strides = array<i32>} : memref<32xf32, #tpu.memory_space<vmem>>, vector<16xf32>,
          %mul3A_157 = arith.constant 16 : i32
          %mul3A_158 = arith.muli %arg1, %mul3A_157 : i32
          %add3A_159 = arith.addi %mul3A_21, %mul3A_158 : i32
          %dma_start3A = arith.constant 0 : i32
          %dma_start3A_160 = tpu.memref_slice %arg15[%dma_start3A] : memref<32xf32, #tpu.memory_space<vmem>> -> memref<16xf32, #tpu.memory_space<vmem>>
          %dma_start3A_161 = tpu.memref_slice %arg17[%add3A_159] : memref<192xf32, #tpu.memory_space<vmem_shared>> -> memref<16xf32, #tpu.memory_space<vmem_shared>>
          %dma_start3A_162 = tpu.memref_slice %arg17[%add3A_159] : memref<192xf32, #tpu.memory_space<vmem_shared>> -> memref<16xf32, #tpu.memory_space<vmem_shared>>
          %dma_start3A_163 = arith.constant 0 : i32
          %dma_start3A_164 = tpu.memref_slice %arg15[%dma_start3A_163] : memref<32xf32, #tpu.memory_space<vmem>> -> memref<16xf32, #tpu.memory_space<vmem>>
          tpu.enqueue_dma source(%dma_start3A_164 : memref<16xf32, #tpu.memory_space<vmem>>) target(%dma_start3A_162 : memref<16xf32, #tpu.memory_space<vmem_shared>>) target_semaphore(%arg18 : memref<!tpu.dma_semaphore, #tpu.memory_space<semaphore_mem>>)
          %sub3A_165 = arith.subf %get3A_100, %add3A_134 : vector<16xf32>
          %div3A_166 = arith.divf %sub3A_165, %get3A_106 : vector<16xf32>
          %add3A_167 = arith.addf %div3A_129, %div3A_166 : vector<16xf32>
          %mul3A_168 = arith.constant 5.000000e-02 : f32
          %mul3A_169 = vector.broadcast %mul3A_168 : f32 to vector<16xf32>
          %mul3A_170 = arith.mulf %mul3A_169, %add3A_167 : vector<16xf32>
          %add3A_171 = arith.addf %get3A_96, %mul3A_170 : vector<16xf32>
          %add3A_172 = arith.addf %add3A_171, %get3A_120 : vector<16xf32>
          %swap3A_173 = arith.constant 16 : index
          %swap3A_174 = tpu.vector_load %arg15[%swap3A_173] {strides = array<i32>} : memref<32xf32, #tpu.memory_space<vmem>>, vector<16xf32>,
          tpu.vector_store %arg15[%swap3A_173], %add3A_172 {strides = array<i32>} : memref<32xf32, #tpu.memory_space<vmem>>, vector<16xf32>,
          %dma_wait3A = arith.constant 0 : i32
          %dma_wait3A_175 = tpu.memref_slice %arg15[%dma_wait3A] : memref<32xf32, #tpu.memory_space<vmem>> -> memref<16xf32, #tpu.memory_space<vmem>>
          %dma_wait3A_176 = tpu.memref_slice %arg17[%add3A_159] : memref<192xf32, #tpu.memory_space<vmem_shared>> -> memref<16xf32, #tpu.memory_space<vmem_shared>>
          %dma_wait3A_177 = tpu.memref_slice %arg17[%add3A_159] : memref<192xf32, #tpu.memory_space<vmem_shared>> -> memref<16xf32, #tpu.memory_space<vmem_shared>>
          %dma_wait3A_178 = arith.constant 0 : i32
          %dma_wait3A_179 = tpu.memref_slice %arg15[%dma_wait3A_178] : memref<32xf32, #tpu.memory_space<vmem>> -> memref<16xf32, #tpu.memory_space<vmem>>
          tpu.wait_dma2 semaphore(%arg18 : memref<!tpu.dma_semaphore, #tpu.memory_space<semaphore_mem>>) src(%dma_wait3A_179 : memref<16xf32, #tpu.memory_space<vmem>>) dst(%dma_wait3A_177 : memref<16xf32, #tpu.memory_space<vmem_shared>>)
        } else {
        }
        %barrier3A = arith.constant 0 : index
        tpu.barrier barrier_id(%barrier3A)
        %convert_element_type3A_25 = arith.extui %and3A : i1 to i32
        %cond3A_26 = arith.constant 0 : i32
        %cond3A_27 = arith.cmpi ne, %convert_element_type3A_25, %cond3A_26 : i32
        scf.if %cond3A_27 {
          "tpu.region"() ({
            %run_scoped3A = tpu.sem_alloc : memref<!tpu.dma_semaphore, #tpu.memory_space<semaphore_mem>>
            %dma_start3A = tpu.memref_slice %arg9[%mul3A_18] : memref<32352xf32, #tpu.memory_space<vmem>> -> memref<96xf32, #tpu.memory_space<vmem>>
            %dma_start3A_28 = tpu.memref_slice %arg17[%mul3A_21] : memref<192xf32, #tpu.memory_space<vmem_shared>> -> memref<96xf32, #tpu.memory_space<vmem_shared>>
            %dma_start3A_29 = tpu.memref_slice %arg9[%mul3A_18] : memref<32352xf32, #tpu.memory_space<vmem>> -> memref<96xf32, #tpu.memory_space<vmem>>
            %dma_start3A_30 = tpu.memref_slice %arg17[%mul3A_21] : memref<192xf32, #tpu.memory_space<vmem_shared>> -> memref<96xf32, #tpu.memory_space<vmem_shared>>
            tpu.enqueue_dma source(%dma_start3A_30 : memref<96xf32, #tpu.memory_space<vmem_shared>>) target(%dma_start3A_29 : memref<96xf32, #tpu.memory_space<vmem>>) target_semaphore(%run_scoped3A : memref<!tpu.dma_semaphore, #tpu.memory_space<semaphore_mem>>)
            %dma_wait3A = tpu.memref_slice %arg9[%mul3A_18] : memref<32352xf32, #tpu.memory_space<vmem>> -> memref<96xf32, #tpu.memory_space<vmem>>
            %dma_wait3A_31 = tpu.memref_slice %arg17[%mul3A_21] : memref<192xf32, #tpu.memory_space<vmem_shared>> -> memref<96xf32, #tpu.memory_space<vmem_shared>>
            %dma_wait3A_32 = tpu.memref_slice %arg9[%mul3A_18] : memref<32352xf32, #tpu.memory_space<vmem>> -> memref<96xf32, #tpu.memory_space<vmem>>
            %dma_wait3A_33 = tpu.memref_slice %arg17[%mul3A_21] : memref<192xf32, #tpu.memory_space<vmem_shared>> -> memref<96xf32, #tpu.memory_space<vmem_shared>>
            tpu.wait_dma2 semaphore(%run_scoped3A : memref<!tpu.dma_semaphore, #tpu.memory_space<semaphore_mem>>) src(%dma_wait3A_33 : memref<96xf32, #tpu.memory_space<vmem_shared>>) dst(%dma_wait3A_32 : memref<96xf32, #tpu.memory_space<vmem>>)
            tpu.yield
          }) : () -> ()
        } else {
        }
      }
      %scan3A_15 = arith.constant 80 : i32
    } else {
    }
    %convert_element_type3A_8 = arith.extui %and3A : i1 to i32
    %cond3A_9 = arith.constant 0 : i32
    %cond3A_10 = arith.cmpi ne, %convert_element_type3A_8, %cond3A_9 : i32
    scf.if %cond3A_10 {
      %broadcast_in_dim3A = arith.constant 1.000000e+00 : f32
      %broadcast_in_dim3A_11 = vector.broadcast %broadcast_in_dim3A : f32 to vector<16xf32>
      %scan3A = arith.constant 0 : i32
      %scan3A_12 = arith.constant 40 : i32
      %scan3A_13 = arith.addi %scan3A, %scan3A_12 : i32
      %scan3A_14 = arith.constant 1 : i32
      %scan3A_15:4 = scf.for %scan3A_76 = %scan3A to %scan3A_13 step %scan3A_14 iter_args(%scan3A_77 = %broadcast_in_dim3A_11, %scan3A_78 = %broadcast_in_dim3A_11, %scan3A_79 = %broadcast_in_dim3A_11, %scan3A_80 = %broadcast_in_dim3A_11) -> (vector<16xf32>, vector<16xf32>, vector<16xf32>, vector<16xf32>)  : i32 {
        %mul3A_81 = arith.constant 96 : i32
        %mul3A_82 = arith.muli %scan3A_76, %mul3A_81 : i32
        %add3A_83 = arith.constant 24672 : i32
        %add3A_84 = arith.addi %add3A_83, %mul3A_82 : i32
        %mul3A_85 = arith.constant 16 : i32
        %mul3A_86 = arith.muli %arg1, %mul3A_85 : i32
        %add3A_87 = arith.addi %add3A_84, %mul3A_86 : i32
        %get3A = arith.index_cast %add3A_87 : i32 to index
        %get3A_88 = tpu.vector_load %arg9[%get3A] {strides = array<i32>} : memref<32352xf32, #tpu.memory_space<vmem>>, vector<16xf32>,
        %bitcast3A = vector.bitcast %scan3A_79 : vector<16xf32> to vector<16xi32>
        %shift_right_arithmetic3A = arith.constant 23 : i32
        %shift_right_arithmetic3A_89 = vector.broadcast %shift_right_arithmetic3A : i32 to vector<16xi32>
        %shift_right_arithmetic3A_90 = arith.shrsi %bitcast3A, %shift_right_arithmetic3A_89 : vector<16xi32>
        %and3A_91 = arith.constant 255 : i32
        %and3A_92 = vector.broadcast %and3A_91 : i32 to vector<16xi32>
        %and3A_93 = arith.andi %shift_right_arithmetic3A_90, %and3A_92 : vector<16xi32>
        %and3A_94 = arith.constant 8388607 : i32
        %and3A_95 = vector.broadcast %and3A_94 : i32 to vector<16xi32>
        %and3A_96 = arith.andi %bitcast3A, %and3A_95 : vector<16xi32>
        %or3A = arith.constant 1065353216 : i32
        %or3A_97 = vector.broadcast %or3A : i32 to vector<16xi32>
        %or3A_98 = arith.ori %and3A_96, %or3A_97 : vector<16xi32>
        %bitcast3A_99 = vector.bitcast %or3A_98 : vector<16xi32> to vector<16xf32>
        %gt3A = arith.constant 1.41421354 : f32
        %gt3A_100 = vector.broadcast %gt3A : f32 to vector<16xf32>
        %gt3A_101 = arith.cmpf ogt, %bitcast3A_99, %gt3A_100 : vector<16xf32>
        %mul3A_102 = arith.constant 5.000000e-01 : f32
        %mul3A_103 = vector.broadcast %mul3A_102 : f32 to vector<16xf32>
        %mul3A_104 = arith.mulf %bitcast3A_99, %mul3A_103 : vector<16xf32>
        %select_n3A = arith.select %gt3A_101, %mul3A_104, %bitcast3A_99 : vector<16xi1>, vector<16xf32>
        %sub3A_105 = arith.constant 127 : i32
        %sub3A_106 = vector.broadcast %sub3A_105 : i32 to vector<16xi32>
        %sub3A_107 = arith.subi %and3A_93, %sub3A_106 : vector<16xi32>
        %convert_element_type3A_108 = arith.sitofp %sub3A_107 : vector<16xi32> to vector<16xf32>
        %jit3A = arith.constant 1.000000e+00 : f32
        %jit3A_109 = arith.constant 0.000000e+00 : f32
        %broadcast_in_dim3A_110 = vector.broadcast %jit3A : f32 to vector<16xf32>
        %broadcast_in_dim3A_111 = vector.broadcast %jit3A_109 : f32 to vector<16xf32>
        %select_n3A_112 = arith.select %gt3A_101, %broadcast_in_dim3A_110, %broadcast_in_dim3A_111 : vector<16xi1>, vector<16xf32>
        %add3A_113 = arith.addf %convert_element_type3A_108, %select_n3A_112 : vector<16xf32>
        %sub3A_114 = arith.constant 1.000000e+00 : f32
        %sub3A_115 = vector.broadcast %sub3A_114 : f32 to vector<16xf32>
        %sub3A_116 = arith.subf %select_n3A, %sub3A_115 : vector<16xf32>
        %add3A_117 = arith.constant 1.000000e+00 : f32
        %add3A_118 = vector.broadcast %add3A_117 : f32 to vector<16xf32>
        %add3A_119 = arith.addf %select_n3A, %add3A_118 : vector<16xf32>
        %div3A_120 = arith.divf %sub3A_116, %add3A_119 : vector<16xf32>
        %mul3A_121 = arith.mulf %div3A_120, %div3A_120 : vector<16xf32>
        %mul3A_122 = arith.constant 2.000000e+00 : f32
        %mul3A_123 = vector.broadcast %mul3A_122 : f32 to vector<16xf32>
        %mul3A_124 = arith.mulf %mul3A_123, %div3A_120 : vector<16xf32>
        %mul3A_125 = arith.constant 0.142857149 : f32
        %mul3A_126 = vector.broadcast %mul3A_125 : f32 to vector<16xf32>
        %mul3A_127 = arith.mulf %mul3A_121, %mul3A_126 : vector<16xf32>
        %add3A_128 = arith.constant 2.000000e-01 : f32
        %add3A_129 = vector.broadcast %add3A_128 : f32 to vector<16xf32>
        %add3A_130 = arith.addf %add3A_129, %mul3A_127 : vector<16xf32>
        %mul3A_131 = arith.mulf %mul3A_121, %add3A_130 : vector<16xf32>
        %add3A_132 = arith.constant 0.333333343 : f32
        %add3A_133 = vector.broadcast %add3A_132 : f32 to vector<16xf32>
        %add3A_134 = arith.addf %add3A_133, %mul3A_131 : vector<16xf32>
        %mul3A_135 = arith.mulf %mul3A_121, %add3A_134 : vector<16xf32>
        %add3A_136 = arith.constant 1.000000e+00 : f32
        %add3A_137 = vector.broadcast %add3A_136 : f32 to vector<16xf32>
        %add3A_138 = arith.addf %add3A_137, %mul3A_135 : vector<16xf32>
        %mul3A_139 = arith.mulf %mul3A_124, %add3A_138 : vector<16xf32>
        %mul3A_140 = arith.constant 0.693147182 : f32
        %mul3A_141 = vector.broadcast %mul3A_140 : f32 to vector<16xf32>
        %mul3A_142 = arith.mulf %add3A_113, %mul3A_141 : vector<16xf32>
        %add3A_143 = arith.addf %mul3A_142, %mul3A_139 : vector<16xf32>
        %mul3A_144 = arith.constant 3.125000e+00 : f32
        %mul3A_145 = vector.broadcast %mul3A_144 : f32 to vector<16xf32>
        %mul3A_146 = arith.mulf %mul3A_145, %add3A_143 : vector<16xf32>
        %exp3A = math.exp %mul3A_146 : vector<16xf32>
        %div3A_147 = arith.divf %exp3A, %scan3A_79 : vector<16xf32>
        %mul3A_148 = arith.constant 6.500000e-01 : f32
        %mul3A_149 = vector.broadcast %mul3A_148 : f32 to vector<16xf32>
        %mul3A_150 = arith.mulf %mul3A_149, %scan3A_77 : vector<16xf32>
        %sub3A_151 = arith.subf %get3A_88, %mul3A_150 : vector<16xf32>
        %sub3A_152 = arith.constant 1.000000e+00 : f32
        %sub3A_153 = vector.broadcast %sub3A_152 : f32 to vector<16xf32>
        %sub3A_154 = arith.subf %scan3A_78, %sub3A_153 : vector<16xf32>
        %mul3A_155 = arith.constant 4.100000e-01 : f32
        %mul3A_156 = vector.broadcast %mul3A_155 : f32 to vector<16xf32>
        %mul3A_157 = arith.mulf %mul3A_156, %sub3A_154 : vector<16xf32>
        %sub3A_158 = arith.subf %sub3A_151, %mul3A_157 : vector<16xf32>
        %sub3A_159 = arith.subf %scan3A_78, %exp3A : vector<16xf32>
        %div3A_160 = arith.constant 9.800000e-01 : f32
        %div3A_161 = vector.broadcast %div3A_160 : f32 to vector<16xf32>
        %div3A_162 = arith.divf %sub3A_159, %div3A_161 : vector<16xf32>
        %div3A_163 = arith.constant -0.510825634 : f32
        %div3A_164 = vector.broadcast %div3A_163 : f32 to vector<16xf32>
        %div3A_165 = arith.divf %div3A_164, %scan3A_78 : vector<16xf32>
        %exp3A_166 = math.exp %div3A_165 : vector<16xf32>
        %sub3A_167 = arith.constant 1.000000e+00 : f32
        %sub3A_168 = vector.broadcast %sub3A_167 : f32 to vector<16xf32>
        %sub3A_169 = arith.subf %sub3A_168, %exp3A_166 : vector<16xf32>
        %mul3A_170 = arith.mulf %scan3A_78, %sub3A_169 : vector<16xf32>
        %div3A_171 = arith.constant 4.000000e-01 : f32
        %div3A_172 = vector.broadcast %div3A_171 : f32 to vector<16xf32>
        %div3A_173 = arith.divf %mul3A_170, %div3A_172 : vector<16xf32>
        %mul3A_174 = arith.mulf %scan3A_80, %div3A_147 : vector<16xf32>
        %sub3A_175 = arith.subf %div3A_173, %mul3A_174 : vector<16xf32>
        %div3A_176 = arith.constant 9.800000e-01 : f32
        %div3A_177 = vector.broadcast %div3A_176 : f32 to vector<16xf32>
        %div3A_178 = arith.divf %sub3A_175, %div3A_177 : vector<16xf32>
        %mul3A_179 = arith.constant 9.99999974E-6 : f32
        %mul3A_180 = vector.broadcast %mul3A_179 : f32 to vector<16xf32>
        %mul3A_181 = arith.mulf %mul3A_180, %sub3A_158 : vector<16xf32>
        %add3A_182 = arith.addf %scan3A_77, %mul3A_181 : vector<16xf32>
        %mul3A_183 = arith.constant 9.99999974E-6 : f32
        %mul3A_184 = vector.broadcast %mul3A_183 : f32 to vector<16xf32>
        %mul3A_185 = arith.mulf %mul3A_184, %scan3A_77 : vector<16xf32>
        %add3A_186 = arith.addf %scan3A_78, %mul3A_185 : vector<16xf32>
        %mul3A_187 = arith.constant 9.99999974E-6 : f32
        %mul3A_188 = vector.broadcast %mul3A_187 : f32 to vector<16xf32>
        %mul3A_189 = arith.mulf %mul3A_188, %div3A_162 : vector<16xf32>
        %add3A_190 = arith.addf %scan3A_79, %mul3A_189 : vector<16xf32>
        %mul3A_191 = arith.constant 9.99999974E-6 : f32
        %mul3A_192 = vector.broadcast %mul3A_191 : f32 to vector<16xf32>
        %mul3A_193 = arith.mulf %mul3A_192, %div3A_178 : vector<16xf32>
        %add3A_194 = arith.addf %scan3A_80, %mul3A_193 : vector<16xf32>
        %bitcast3A_195 = vector.bitcast %add3A_190 : vector<16xf32> to vector<16xi32>
        %shift_right_arithmetic3A_196 = arith.constant 23 : i32
        %shift_right_arithmetic3A_197 = vector.broadcast %shift_right_arithmetic3A_196 : i32 to vector<16xi32>
        %shift_right_arithmetic3A_198 = arith.shrsi %bitcast3A_195, %shift_right_arithmetic3A_197 : vector<16xi32>
        %and3A_199 = arith.constant 255 : i32
        %and3A_200 = vector.broadcast %and3A_199 : i32 to vector<16xi32>
        %and3A_201 = arith.andi %shift_right_arithmetic3A_198, %and3A_200 : vector<16xi32>
        %and3A_202 = arith.constant 8388607 : i32
        %and3A_203 = vector.broadcast %and3A_202 : i32 to vector<16xi32>
        %and3A_204 = arith.andi %bitcast3A_195, %and3A_203 : vector<16xi32>
        %or3A_205 = arith.constant 1065353216 : i32
        %or3A_206 = vector.broadcast %or3A_205 : i32 to vector<16xi32>
        %or3A_207 = arith.ori %and3A_204, %or3A_206 : vector<16xi32>
        %bitcast3A_208 = vector.bitcast %or3A_207 : vector<16xi32> to vector<16xf32>
        %gt3A_209 = arith.constant 1.41421354 : f32
        %gt3A_210 = vector.broadcast %gt3A_209 : f32 to vector<16xf32>
        %gt3A_211 = arith.cmpf ogt, %bitcast3A_208, %gt3A_210 : vector<16xf32>
        %mul3A_212 = arith.constant 5.000000e-01 : f32
        %mul3A_213 = vector.broadcast %mul3A_212 : f32 to vector<16xf32>
        %mul3A_214 = arith.mulf %bitcast3A_208, %mul3A_213 : vector<16xf32>
        %select_n3A_215 = arith.select %gt3A_211, %mul3A_214, %bitcast3A_208 : vector<16xi1>, vector<16xf32>
        %sub3A_216 = arith.constant 127 : i32
        %sub3A_217 = vector.broadcast %sub3A_216 : i32 to vector<16xi32>
        %sub3A_218 = arith.subi %and3A_201, %sub3A_217 : vector<16xi32>
        %convert_element_type3A_219 = arith.sitofp %sub3A_218 : vector<16xi32> to vector<16xf32>
        %jit3A_220 = arith.constant 1.000000e+00 : f32
        %jit3A_221 = arith.constant 0.000000e+00 : f32
        %broadcast_in_dim3A_222 = vector.broadcast %jit3A_220 : f32 to vector<16xf32>
        %broadcast_in_dim3A_223 = vector.broadcast %jit3A_221 : f32 to vector<16xf32>
        %select_n3A_224 = arith.select %gt3A_211, %broadcast_in_dim3A_222, %broadcast_in_dim3A_223 : vector<16xi1>, vector<16xf32>
        %add3A_225 = arith.addf %convert_element_type3A_219, %select_n3A_224 : vector<16xf32>
        %sub3A_226 = arith.constant 1.000000e+00 : f32
        %sub3A_227 = vector.broadcast %sub3A_226 : f32 to vector<16xf32>
        %sub3A_228 = arith.subf %select_n3A_215, %sub3A_227 : vector<16xf32>
        %add3A_229 = arith.constant 1.000000e+00 : f32
        %add3A_230 = vector.broadcast %add3A_229 : f32 to vector<16xf32>
        %add3A_231 = arith.addf %select_n3A_215, %add3A_230 : vector<16xf32>
        %div3A_232 = arith.divf %sub3A_228, %add3A_231 : vector<16xf32>
        %mul3A_233 = arith.mulf %div3A_232, %div3A_232 : vector<16xf32>
        %mul3A_234 = arith.constant 2.000000e+00 : f32
        %mul3A_235 = vector.broadcast %mul3A_234 : f32 to vector<16xf32>
        %mul3A_236 = arith.mulf %mul3A_235, %div3A_232 : vector<16xf32>
        %mul3A_237 = arith.constant 0.142857149 : f32
        %mul3A_238 = vector.broadcast %mul3A_237 : f32 to vector<16xf32>
        %mul3A_239 = arith.mulf %mul3A_233, %mul3A_238 : vector<16xf32>
        %add3A_240 = arith.constant 2.000000e-01 : f32
        %add3A_241 = vector.broadcast %add3A_240 : f32 to vector<16xf32>
        %add3A_242 = arith.addf %add3A_241, %mul3A_239 : vector<16xf32>
        %mul3A_243 = arith.mulf %mul3A_233, %add3A_242 : vector<16xf32>
        %add3A_244 = arith.constant 0.333333343 : f32
        %add3A_245 = vector.broadcast %add3A_244 : f32 to vector<16xf32>
        %add3A_246 = arith.addf %add3A_245, %mul3A_243 : vector<16xf32>
        %mul3A_247 = arith.mulf %mul3A_233, %add3A_246 : vector<16xf32>
        %add3A_248 = arith.constant 1.000000e+00 : f32
        %add3A_249 = vector.broadcast %add3A_248 : f32 to vector<16xf32>
        %add3A_250 = arith.addf %add3A_249, %mul3A_247 : vector<16xf32>
        %mul3A_251 = arith.mulf %mul3A_236, %add3A_250 : vector<16xf32>
        %mul3A_252 = arith.constant 0.693147182 : f32
        %mul3A_253 = vector.broadcast %mul3A_252 : f32 to vector<16xf32>
        %mul3A_254 = arith.mulf %add3A_225, %mul3A_253 : vector<16xf32>
        %add3A_255 = arith.addf %mul3A_254, %mul3A_251 : vector<16xf32>
        %mul3A_256 = arith.constant 3.125000e+00 : f32
        %mul3A_257 = vector.broadcast %mul3A_256 : f32 to vector<16xf32>
        %mul3A_258 = arith.mulf %mul3A_257, %add3A_255 : vector<16xf32>
        %exp3A_259 = math.exp %mul3A_258 : vector<16xf32>
        %div3A_260 = arith.divf %exp3A_259, %add3A_190 : vector<16xf32>
        %mul3A_261 = arith.constant 6.500000e-01 : f32
        %mul3A_262 = vector.broadcast %mul3A_261 : f32 to vector<16xf32>
        %mul3A_263 = arith.mulf %mul3A_262, %add3A_182 : vector<16xf32>
        %sub3A_264 = arith.subf %get3A_88, %mul3A_263 : vector<16xf32>
        %sub3A_265 = arith.constant 1.000000e+00 : f32
        %sub3A_266 = vector.broadcast %sub3A_265 : f32 to vector<16xf32>
        %sub3A_267 = arith.subf %add3A_186, %sub3A_266 : vector<16xf32>
        %mul3A_268 = arith.constant 4.100000e-01 : f32
        %mul3A_269 = vector.broadcast %mul3A_268 : f32 to vector<16xf32>
        %mul3A_270 = arith.mulf %mul3A_269, %sub3A_267 : vector<16xf32>
        %sub3A_271 = arith.subf %sub3A_264, %mul3A_270 : vector<16xf32>
        %sub3A_272 = arith.subf %add3A_186, %exp3A_259 : vector<16xf32>
        %div3A_273 = arith.constant 9.800000e-01 : f32
        %div3A_274 = vector.broadcast %div3A_273 : f32 to vector<16xf32>
        %div3A_275 = arith.divf %sub3A_272, %div3A_274 : vector<16xf32>
        %div3A_276 = arith.constant -0.510825634 : f32
        %div3A_277 = vector.broadcast %div3A_276 : f32 to vector<16xf32>
        %div3A_278 = arith.divf %div3A_277, %add3A_186 : vector<16xf32>
        %exp3A_279 = math.exp %div3A_278 : vector<16xf32>
        %sub3A_280 = arith.constant 1.000000e+00 : f32
        %sub3A_281 = vector.broadcast %sub3A_280 : f32 to vector<16xf32>
        %sub3A_282 = arith.subf %sub3A_281, %exp3A_279 : vector<16xf32>
        %mul3A_283 = arith.mulf %add3A_186, %sub3A_282 : vector<16xf32>
        %div3A_284 = arith.constant 4.000000e-01 : f32
        %div3A_285 = vector.broadcast %div3A_284 : f32 to vector<16xf32>
        %div3A_286 = arith.divf %mul3A_283, %div3A_285 : vector<16xf32>
        %mul3A_287 = arith.mulf %add3A_194, %div3A_260 : vector<16xf32>
        %sub3A_288 = arith.subf %div3A_286, %mul3A_287 : vector<16xf32>
        %div3A_289 = arith.constant 9.800000e-01 : f32
        %div3A_290 = vector.broadcast %div3A_289 : f32 to vector<16xf32>
        %div3A_291 = arith.divf %sub3A_288, %div3A_290 : vector<16xf32>
        %add3A_292 = arith.addf %sub3A_158, %sub3A_271 : vector<16xf32>
        %mul3A_293 = arith.constant 5.000000e-06 : f32
        %mul3A_294 = vector.broadcast %mul3A_293 : f32 to vector<16xf32>
        %mul3A_295 = arith.mulf %mul3A_294, %add3A_292 : vector<16xf32>
        %add3A_296 = arith.addf %scan3A_77, %mul3A_295 : vector<16xf32>
        %add3A_297 = arith.addf %scan3A_77, %add3A_182 : vector<16xf32>
        %mul3A_298 = arith.constant 5.000000e-06 : f32
        %mul3A_299 = vector.broadcast %mul3A_298 : f32 to vector<16xf32>
        %mul3A_300 = arith.mulf %mul3A_299, %add3A_297 : vector<16xf32>
        %add3A_301 = arith.addf %scan3A_78, %mul3A_300 : vector<16xf32>
        %add3A_302 = arith.addf %div3A_162, %div3A_275 : vector<16xf32>
        %mul3A_303 = arith.constant 5.000000e-06 : f32
        %mul3A_304 = vector.broadcast %mul3A_303 : f32 to vector<16xf32>
        %mul3A_305 = arith.mulf %mul3A_304, %add3A_302 : vector<16xf32>
        %add3A_306 = arith.addf %scan3A_79, %mul3A_305 : vector<16xf32>
        %add3A_307 = arith.addf %div3A_178, %div3A_291 : vector<16xf32>
        %mul3A_308 = arith.constant 5.000000e-06 : f32
        %mul3A_309 = vector.broadcast %mul3A_308 : f32 to vector<16xf32>
        %mul3A_310 = arith.mulf %mul3A_309, %add3A_307 : vector<16xf32>
        %add3A_311 = arith.addf %scan3A_80, %mul3A_310 : vector<16xf32>
        scf.yield %add3A_296, %add3A_301, %add3A_306, %add3A_311 : vector<16xf32>, vector<16xf32>, vector<16xf32>, vector<16xf32>
      }
      %scan3A_16 = arith.constant 40 : i32
      %sub3A = arith.constant 1.000000e+00 : f32
      %sub3A_17 = vector.broadcast %sub3A : f32 to vector<16xf32>
      %sub3A_18 = arith.subf %sub3A_17, %scan3A_15#3 : vector<16xf32>
      %mul3A = arith.constant 2.800000e+00 : f32
      %mul3A_19 = vector.broadcast %mul3A : f32 to vector<16xf32>
      %mul3A_20 = arith.mulf %mul3A_19, %sub3A_18 : vector<16xf32>
      %div3A = arith.divf %scan3A_15#3, %scan3A_15#2 : vector<16xf32>
      %sub3A_21 = arith.constant 1.000000e+00 : f32
      %sub3A_22 = vector.broadcast %sub3A_21 : f32 to vector<16xf32>
      %sub3A_23 = arith.subf %sub3A_22, %div3A : vector<16xf32>
      %mul3A_24 = arith.constant 8.000000e-01 : f32
      %mul3A_25 = vector.broadcast %mul3A_24 : f32 to vector<16xf32>
      %mul3A_26 = arith.mulf %mul3A_25, %sub3A_23 : vector<16xf32>
      %add3A = arith.addf %mul3A_20, %mul3A_26 : vector<16xf32>
      %sub3A_27 = arith.constant 1.000000e+00 : f32
      %sub3A_28 = vector.broadcast %sub3A_27 : f32 to vector<16xf32>
      %sub3A_29 = arith.subf %sub3A_28, %scan3A_15#2 : vector<16xf32>
      %mul3A_30 = arith.constant 4.800000e-01 : f32
      %mul3A_31 = vector.broadcast %mul3A_30 : f32 to vector<16xf32>
      %mul3A_32 = arith.mulf %mul3A_31, %sub3A_29 : vector<16xf32>
      %add3A_33 = arith.addf %add3A, %mul3A_32 : vector<16xf32>
      %mul3A_34 = arith.constant 2.000000e-02 : f32
      %mul3A_35 = vector.broadcast %mul3A_34 : f32 to vector<16xf32>
      %mul3A_36 = arith.mulf %mul3A_35, %add3A_33 : vector<16xf32>
      %swap3A = arith.constant 0 : index
      %swap3A_37 = tpu.vector_load %arg16[%swap3A] {strides = array<i32>} : memref<32xf32, #tpu.memory_space<vmem>>, vector<16xf32>,
      tpu.vector_store %arg16[%swap3A], %mul3A_36 {strides = array<i32>} : memref<32xf32, #tpu.memory_space<vmem>>, vector<16xf32>,
      %scan3A_38 = arith.constant 40 : i32
      %scan3A_39 = arith.constant 40 : i32
      %scan3A_40 = arith.addi %scan3A_38, %scan3A_39 : i32
      %scan3A_41 = arith.constant 1 : i32
      %scan3A_42:4 = scf.for %scan3A_76 = %scan3A_38 to %scan3A_40 step %scan3A_41 iter_args(%scan3A_77 = %scan3A_15#0, %scan3A_78 = %scan3A_15#1, %scan3A_79 = %scan3A_15#2, %scan3A_80 = %scan3A_15#3) -> (vector<16xf32>, vector<16xf32>, vector<16xf32>, vector<16xf32>)  : i32 {
        %mul3A_81 = arith.constant 96 : i32
        %mul3A_82 = arith.muli %scan3A_76, %mul3A_81 : i32
        %add3A_83 = arith.constant 24672 : i32
        %add3A_84 = arith.addi %add3A_83, %mul3A_82 : i32
        %mul3A_85 = arith.constant 16 : i32
        %mul3A_86 = arith.muli %arg1, %mul3A_85 : i32
        %add3A_87 = arith.addi %add3A_84, %mul3A_86 : i32
        %get3A = arith.index_cast %add3A_87 : i32 to index
        %get3A_88 = tpu.vector_load %arg9[%get3A] {strides = array<i32>} : memref<32352xf32, #tpu.memory_space<vmem>>, vector<16xf32>,
        %bitcast3A = vector.bitcast %scan3A_79 : vector<16xf32> to vector<16xi32>
        %shift_right_arithmetic3A = arith.constant 23 : i32
        %shift_right_arithmetic3A_89 = vector.broadcast %shift_right_arithmetic3A : i32 to vector<16xi32>
        %shift_right_arithmetic3A_90 = arith.shrsi %bitcast3A, %shift_right_arithmetic3A_89 : vector<16xi32>
        %and3A_91 = arith.constant 255 : i32
        %and3A_92 = vector.broadcast %and3A_91 : i32 to vector<16xi32>
        %and3A_93 = arith.andi %shift_right_arithmetic3A_90, %and3A_92 : vector<16xi32>
        %and3A_94 = arith.constant 8388607 : i32
        %and3A_95 = vector.broadcast %and3A_94 : i32 to vector<16xi32>
        %and3A_96 = arith.andi %bitcast3A, %and3A_95 : vector<16xi32>
        %or3A = arith.constant 1065353216 : i32
        %or3A_97 = vector.broadcast %or3A : i32 to vector<16xi32>
        %or3A_98 = arith.ori %and3A_96, %or3A_97 : vector<16xi32>
        %bitcast3A_99 = vector.bitcast %or3A_98 : vector<16xi32> to vector<16xf32>
        %gt3A = arith.constant 1.41421354 : f32
        %gt3A_100 = vector.broadcast %gt3A : f32 to vector<16xf32>
        %gt3A_101 = arith.cmpf ogt, %bitcast3A_99, %gt3A_100 : vector<16xf32>
        %mul3A_102 = arith.constant 5.000000e-01 : f32
        %mul3A_103 = vector.broadcast %mul3A_102 : f32 to vector<16xf32>
        %mul3A_104 = arith.mulf %bitcast3A_99, %mul3A_103 : vector<16xf32>
        %select_n3A = arith.select %gt3A_101, %mul3A_104, %bitcast3A_99 : vector<16xi1>, vector<16xf32>
        %sub3A_105 = arith.constant 127 : i32
        %sub3A_106 = vector.broadcast %sub3A_105 : i32 to vector<16xi32>
        %sub3A_107 = arith.subi %and3A_93, %sub3A_106 : vector<16xi32>
        %convert_element_type3A_108 = arith.sitofp %sub3A_107 : vector<16xi32> to vector<16xf32>
        %jit3A = arith.constant 1.000000e+00 : f32
        %jit3A_109 = arith.constant 0.000000e+00 : f32
        %broadcast_in_dim3A_110 = vector.broadcast %jit3A : f32 to vector<16xf32>
        %broadcast_in_dim3A_111 = vector.broadcast %jit3A_109 : f32 to vector<16xf32>
        %select_n3A_112 = arith.select %gt3A_101, %broadcast_in_dim3A_110, %broadcast_in_dim3A_111 : vector<16xi1>, vector<16xf32>
        %add3A_113 = arith.addf %convert_element_type3A_108, %select_n3A_112 : vector<16xf32>
        %sub3A_114 = arith.constant 1.000000e+00 : f32
        %sub3A_115 = vector.broadcast %sub3A_114 : f32 to vector<16xf32>
        %sub3A_116 = arith.subf %select_n3A, %sub3A_115 : vector<16xf32>
        %add3A_117 = arith.constant 1.000000e+00 : f32
        %add3A_118 = vector.broadcast %add3A_117 : f32 to vector<16xf32>
        %add3A_119 = arith.addf %select_n3A, %add3A_118 : vector<16xf32>
        %div3A_120 = arith.divf %sub3A_116, %add3A_119 : vector<16xf32>
        %mul3A_121 = arith.mulf %div3A_120, %div3A_120 : vector<16xf32>
        %mul3A_122 = arith.constant 2.000000e+00 : f32
        %mul3A_123 = vector.broadcast %mul3A_122 : f32 to vector<16xf32>
        %mul3A_124 = arith.mulf %mul3A_123, %div3A_120 : vector<16xf32>
        %mul3A_125 = arith.constant 0.142857149 : f32
        %mul3A_126 = vector.broadcast %mul3A_125 : f32 to vector<16xf32>
        %mul3A_127 = arith.mulf %mul3A_121, %mul3A_126 : vector<16xf32>
        %add3A_128 = arith.constant 2.000000e-01 : f32
        %add3A_129 = vector.broadcast %add3A_128 : f32 to vector<16xf32>
        %add3A_130 = arith.addf %add3A_129, %mul3A_127 : vector<16xf32>
        %mul3A_131 = arith.mulf %mul3A_121, %add3A_130 : vector<16xf32>
        %add3A_132 = arith.constant 0.333333343 : f32
        %add3A_133 = vector.broadcast %add3A_132 : f32 to vector<16xf32>
        %add3A_134 = arith.addf %add3A_133, %mul3A_131 : vector<16xf32>
        %mul3A_135 = arith.mulf %mul3A_121, %add3A_134 : vector<16xf32>
        %add3A_136 = arith.constant 1.000000e+00 : f32
        %add3A_137 = vector.broadcast %add3A_136 : f32 to vector<16xf32>
        %add3A_138 = arith.addf %add3A_137, %mul3A_135 : vector<16xf32>
        %mul3A_139 = arith.mulf %mul3A_124, %add3A_138 : vector<16xf32>
        %mul3A_140 = arith.constant 0.693147182 : f32
        %mul3A_141 = vector.broadcast %mul3A_140 : f32 to vector<16xf32>
        %mul3A_142 = arith.mulf %add3A_113, %mul3A_141 : vector<16xf32>
        %add3A_143 = arith.addf %mul3A_142, %mul3A_139 : vector<16xf32>
        %mul3A_144 = arith.constant 3.125000e+00 : f32
        %mul3A_145 = vector.broadcast %mul3A_144 : f32 to vector<16xf32>
        %mul3A_146 = arith.mulf %mul3A_145, %add3A_143 : vector<16xf32>
        %exp3A = math.exp %mul3A_146 : vector<16xf32>
        %div3A_147 = arith.divf %exp3A, %scan3A_79 : vector<16xf32>
        %mul3A_148 = arith.constant 6.500000e-01 : f32
        %mul3A_149 = vector.broadcast %mul3A_148 : f32 to vector<16xf32>
        %mul3A_150 = arith.mulf %mul3A_149, %scan3A_77 : vector<16xf32>
        %sub3A_151 = arith.subf %get3A_88, %mul3A_150 : vector<16xf32>
        %sub3A_152 = arith.constant 1.000000e+00 : f32
        %sub3A_153 = vector.broadcast %sub3A_152 : f32 to vector<16xf32>
        %sub3A_154 = arith.subf %scan3A_78, %sub3A_153 : vector<16xf32>
        %mul3A_155 = arith.constant 4.100000e-01 : f32
        %mul3A_156 = vector.broadcast %mul3A_155 : f32 to vector<16xf32>
        %mul3A_157 = arith.mulf %mul3A_156, %sub3A_154 : vector<16xf32>
        %sub3A_158 = arith.subf %sub3A_151, %mul3A_157 : vector<16xf32>
        %sub3A_159 = arith.subf %scan3A_78, %exp3A : vector<16xf32>
        %div3A_160 = arith.constant 9.800000e-01 : f32
        %div3A_161 = vector.broadcast %div3A_160 : f32 to vector<16xf32>
        %div3A_162 = arith.divf %sub3A_159, %div3A_161 : vector<16xf32>
        %div3A_163 = arith.constant -0.510825634 : f32
        %div3A_164 = vector.broadcast %div3A_163 : f32 to vector<16xf32>
        %div3A_165 = arith.divf %div3A_164, %scan3A_78 : vector<16xf32>
        %exp3A_166 = math.exp %div3A_165 : vector<16xf32>
        %sub3A_167 = arith.constant 1.000000e+00 : f32
        %sub3A_168 = vector.broadcast %sub3A_167 : f32 to vector<16xf32>
        %sub3A_169 = arith.subf %sub3A_168, %exp3A_166 : vector<16xf32>
        %mul3A_170 = arith.mulf %scan3A_78, %sub3A_169 : vector<16xf32>
        %div3A_171 = arith.constant 4.000000e-01 : f32
        %div3A_172 = vector.broadcast %div3A_171 : f32 to vector<16xf32>
        %div3A_173 = arith.divf %mul3A_170, %div3A_172 : vector<16xf32>
        %mul3A_174 = arith.mulf %scan3A_80, %div3A_147 : vector<16xf32>
        %sub3A_175 = arith.subf %div3A_173, %mul3A_174 : vector<16xf32>
        %div3A_176 = arith.constant 9.800000e-01 : f32
        %div3A_177 = vector.broadcast %div3A_176 : f32 to vector<16xf32>
        %div3A_178 = arith.divf %sub3A_175, %div3A_177 : vector<16xf32>
        %mul3A_179 = arith.constant 9.99999974E-6 : f32
        %mul3A_180 = vector.broadcast %mul3A_179 : f32 to vector<16xf32>
        %mul3A_181 = arith.mulf %mul3A_180, %sub3A_158 : vector<16xf32>
        %add3A_182 = arith.addf %scan3A_77, %mul3A_181 : vector<16xf32>
        %mul3A_183 = arith.constant 9.99999974E-6 : f32
        %mul3A_184 = vector.broadcast %mul3A_183 : f32 to vector<16xf32>
        %mul3A_185 = arith.mulf %mul3A_184, %scan3A_77 : vector<16xf32>
        %add3A_186 = arith.addf %scan3A_78, %mul3A_185 : vector<16xf32>
        %mul3A_187 = arith.constant 9.99999974E-6 : f32
        %mul3A_188 = vector.broadcast %mul3A_187 : f32 to vector<16xf32>
        %mul3A_189 = arith.mulf %mul3A_188, %div3A_162 : vector<16xf32>
        %add3A_190 = arith.addf %scan3A_79, %mul3A_189 : vector<16xf32>
        %mul3A_191 = arith.constant 9.99999974E-6 : f32
        %mul3A_192 = vector.broadcast %mul3A_191 : f32 to vector<16xf32>
        %mul3A_193 = arith.mulf %mul3A_192, %div3A_178 : vector<16xf32>
        %add3A_194 = arith.addf %scan3A_80, %mul3A_193 : vector<16xf32>
        %bitcast3A_195 = vector.bitcast %add3A_190 : vector<16xf32> to vector<16xi32>
        %shift_right_arithmetic3A_196 = arith.constant 23 : i32
        %shift_right_arithmetic3A_197 = vector.broadcast %shift_right_arithmetic3A_196 : i32 to vector<16xi32>
        %shift_right_arithmetic3A_198 = arith.shrsi %bitcast3A_195, %shift_right_arithmetic3A_197 : vector<16xi32>
        %and3A_199 = arith.constant 255 : i32
        %and3A_200 = vector.broadcast %and3A_199 : i32 to vector<16xi32>
        %and3A_201 = arith.andi %shift_right_arithmetic3A_198, %and3A_200 : vector<16xi32>
        %and3A_202 = arith.constant 8388607 : i32
        %and3A_203 = vector.broadcast %and3A_202 : i32 to vector<16xi32>
        %and3A_204 = arith.andi %bitcast3A_195, %and3A_203 : vector<16xi32>
        %or3A_205 = arith.constant 1065353216 : i32
        %or3A_206 = vector.broadcast %or3A_205 : i32 to vector<16xi32>
        %or3A_207 = arith.ori %and3A_204, %or3A_206 : vector<16xi32>
        %bitcast3A_208 = vector.bitcast %or3A_207 : vector<16xi32> to vector<16xf32>
        %gt3A_209 = arith.constant 1.41421354 : f32
        %gt3A_210 = vector.broadcast %gt3A_209 : f32 to vector<16xf32>
        %gt3A_211 = arith.cmpf ogt, %bitcast3A_208, %gt3A_210 : vector<16xf32>
        %mul3A_212 = arith.constant 5.000000e-01 : f32
        %mul3A_213 = vector.broadcast %mul3A_212 : f32 to vector<16xf32>
        %mul3A_214 = arith.mulf %bitcast3A_208, %mul3A_213 : vector<16xf32>
        %select_n3A_215 = arith.select %gt3A_211, %mul3A_214, %bitcast3A_208 : vector<16xi1>, vector<16xf32>
        %sub3A_216 = arith.constant 127 : i32
        %sub3A_217 = vector.broadcast %sub3A_216 : i32 to vector<16xi32>
        %sub3A_218 = arith.subi %and3A_201, %sub3A_217 : vector<16xi32>
        %convert_element_type3A_219 = arith.sitofp %sub3A_218 : vector<16xi32> to vector<16xf32>
        %jit3A_220 = arith.constant 1.000000e+00 : f32
        %jit3A_221 = arith.constant 0.000000e+00 : f32
        %broadcast_in_dim3A_222 = vector.broadcast %jit3A_220 : f32 to vector<16xf32>
        %broadcast_in_dim3A_223 = vector.broadcast %jit3A_221 : f32 to vector<16xf32>
        %select_n3A_224 = arith.select %gt3A_211, %broadcast_in_dim3A_222, %broadcast_in_dim3A_223 : vector<16xi1>, vector<16xf32>
        %add3A_225 = arith.addf %convert_element_type3A_219, %select_n3A_224 : vector<16xf32>
        %sub3A_226 = arith.constant 1.000000e+00 : f32
        %sub3A_227 = vector.broadcast %sub3A_226 : f32 to vector<16xf32>
        %sub3A_228 = arith.subf %select_n3A_215, %sub3A_227 : vector<16xf32>
        %add3A_229 = arith.constant 1.000000e+00 : f32
        %add3A_230 = vector.broadcast %add3A_229 : f32 to vector<16xf32>
        %add3A_231 = arith.addf %select_n3A_215, %add3A_230 : vector<16xf32>
        %div3A_232 = arith.divf %sub3A_228, %add3A_231 : vector<16xf32>
        %mul3A_233 = arith.mulf %div3A_232, %div3A_232 : vector<16xf32>
        %mul3A_234 = arith.constant 2.000000e+00 : f32
        %mul3A_235 = vector.broadcast %mul3A_234 : f32 to vector<16xf32>
        %mul3A_236 = arith.mulf %mul3A_235, %div3A_232 : vector<16xf32>
        %mul3A_237 = arith.constant 0.142857149 : f32
        %mul3A_238 = vector.broadcast %mul3A_237 : f32 to vector<16xf32>
        %mul3A_239 = arith.mulf %mul3A_233, %mul3A_238 : vector<16xf32>
        %add3A_240 = arith.constant 2.000000e-01 : f32
        %add3A_241 = vector.broadcast %add3A_240 : f32 to vector<16xf32>
        %add3A_242 = arith.addf %add3A_241, %mul3A_239 : vector<16xf32>
        %mul3A_243 = arith.mulf %mul3A_233, %add3A_242 : vector<16xf32>
        %add3A_244 = arith.constant 0.333333343 : f32
        %add3A_245 = vector.broadcast %add3A_244 : f32 to vector<16xf32>
        %add3A_246 = arith.addf %add3A_245, %mul3A_243 : vector<16xf32>
        %mul3A_247 = arith.mulf %mul3A_233, %add3A_246 : vector<16xf32>
        %add3A_248 = arith.constant 1.000000e+00 : f32
        %add3A_249 = vector.broadcast %add3A_248 : f32 to vector<16xf32>
        %add3A_250 = arith.addf %add3A_249, %mul3A_247 : vector<16xf32>
        %mul3A_251 = arith.mulf %mul3A_236, %add3A_250 : vector<16xf32>
        %mul3A_252 = arith.constant 0.693147182 : f32
        %mul3A_253 = vector.broadcast %mul3A_252 : f32 to vector<16xf32>
        %mul3A_254 = arith.mulf %add3A_225, %mul3A_253 : vector<16xf32>
        %add3A_255 = arith.addf %mul3A_254, %mul3A_251 : vector<16xf32>
        %mul3A_256 = arith.constant 3.125000e+00 : f32
        %mul3A_257 = vector.broadcast %mul3A_256 : f32 to vector<16xf32>
        %mul3A_258 = arith.mulf %mul3A_257, %add3A_255 : vector<16xf32>
        %exp3A_259 = math.exp %mul3A_258 : vector<16xf32>
        %div3A_260 = arith.divf %exp3A_259, %add3A_190 : vector<16xf32>
        %mul3A_261 = arith.constant 6.500000e-01 : f32
        %mul3A_262 = vector.broadcast %mul3A_261 : f32 to vector<16xf32>
        %mul3A_263 = arith.mulf %mul3A_262, %add3A_182 : vector<16xf32>
        %sub3A_264 = arith.subf %get3A_88, %mul3A_263 : vector<16xf32>
        %sub3A_265 = arith.constant 1.000000e+00 : f32
        %sub3A_266 = vector.broadcast %sub3A_265 : f32 to vector<16xf32>
        %sub3A_267 = arith.subf %add3A_186, %sub3A_266 : vector<16xf32>
        %mul3A_268 = arith.constant 4.100000e-01 : f32
        %mul3A_269 = vector.broadcast %mul3A_268 : f32 to vector<16xf32>
        %mul3A_270 = arith.mulf %mul3A_269, %sub3A_267 : vector<16xf32>
        %sub3A_271 = arith.subf %sub3A_264, %mul3A_270 : vector<16xf32>
        %sub3A_272 = arith.subf %add3A_186, %exp3A_259 : vector<16xf32>
        %div3A_273 = arith.constant 9.800000e-01 : f32
        %div3A_274 = vector.broadcast %div3A_273 : f32 to vector<16xf32>
        %div3A_275 = arith.divf %sub3A_272, %div3A_274 : vector<16xf32>
        %div3A_276 = arith.constant -0.510825634 : f32
        %div3A_277 = vector.broadcast %div3A_276 : f32 to vector<16xf32>
        %div3A_278 = arith.divf %div3A_277, %add3A_186 : vector<16xf32>
        %exp3A_279 = math.exp %div3A_278 : vector<16xf32>
        %sub3A_280 = arith.constant 1.000000e+00 : f32
        %sub3A_281 = vector.broadcast %sub3A_280 : f32 to vector<16xf32>
        %sub3A_282 = arith.subf %sub3A_281, %exp3A_279 : vector<16xf32>
        %mul3A_283 = arith.mulf %add3A_186, %sub3A_282 : vector<16xf32>
        %div3A_284 = arith.constant 4.000000e-01 : f32
        %div3A_285 = vector.broadcast %div3A_284 : f32 to vector<16xf32>
        %div3A_286 = arith.divf %mul3A_283, %div3A_285 : vector<16xf32>
        %mul3A_287 = arith.mulf %add3A_194, %div3A_260 : vector<16xf32>
        %sub3A_288 = arith.subf %div3A_286, %mul3A_287 : vector<16xf32>
        %div3A_289 = arith.constant 9.800000e-01 : f32
        %div3A_290 = vector.broadcast %div3A_289 : f32 to vector<16xf32>
        %div3A_291 = arith.divf %sub3A_288, %div3A_290 : vector<16xf32>
        %add3A_292 = arith.addf %sub3A_158, %sub3A_271 : vector<16xf32>
        %mul3A_293 = arith.constant 5.000000e-06 : f32
        %mul3A_294 = vector.broadcast %mul3A_293 : f32 to vector<16xf32>
        %mul3A_295 = arith.mulf %mul3A_294, %add3A_292 : vector<16xf32>
        %add3A_296 = arith.addf %scan3A_77, %mul3A_295 : vector<16xf32>
        %add3A_297 = arith.addf %scan3A_77, %add3A_182 : vector<16xf32>
        %mul3A_298 = arith.constant 5.000000e-06 : f32
        %mul3A_299 = vector.broadcast %mul3A_298 : f32 to vector<16xf32>
        %mul3A_300 = arith.mulf %mul3A_299, %add3A_297 : vector<16xf32>
        %add3A_301 = arith.addf %scan3A_78, %mul3A_300 : vector<16xf32>
        %add3A_302 = arith.addf %div3A_162, %div3A_275 : vector<16xf32>
        %mul3A_303 = arith.constant 5.000000e-06 : f32
        %mul3A_304 = vector.broadcast %mul3A_303 : f32 to vector<16xf32>
        %mul3A_305 = arith.mulf %mul3A_304, %add3A_302 : vector<16xf32>
        %add3A_306 = arith.addf %scan3A_79, %mul3A_305 : vector<16xf32>
        %add3A_307 = arith.addf %div3A_178, %div3A_291 : vector<16xf32>
        %mul3A_308 = arith.constant 5.000000e-06 : f32
        %mul3A_309 = vector.broadcast %mul3A_308 : f32 to vector<16xf32>
        %mul3A_310 = arith.mulf %mul3A_309, %add3A_307 : vector<16xf32>
        %add3A_311 = arith.addf %scan3A_80, %mul3A_310 : vector<16xf32>
        scf.yield %add3A_296, %add3A_301, %add3A_306, %add3A_311 : vector<16xf32>, vector<16xf32>, vector<16xf32>, vector<16xf32>
      }
      %scan3A_43 = arith.constant 40 : i32
      %sub3A_44 = arith.constant 1.000000e+00 : f32
      %sub3A_45 = vector.broadcast %sub3A_44 : f32 to vector<16xf32>
      %sub3A_46 = arith.subf %sub3A_45, %scan3A_42#3 : vector<16xf32>
      %mul3A_47 = arith.constant 2.800000e+00 : f32
      %mul3A_48 = vector.broadcast %mul3A_47 : f32 to vector<16xf32>
      %mul3A_49 = arith.mulf %mul3A_48, %sub3A_46 : vector<16xf32>
      %div3A_50 = arith.divf %scan3A_42#3, %scan3A_42#2 : vector<16xf32>
      %sub3A_51 = arith.constant 1.000000e+00 : f32
      %sub3A_52 = vector.broadcast %sub3A_51 : f32 to vector<16xf32>
      %sub3A_53 = arith.subf %sub3A_52, %div3A_50 : vector<16xf32>
      %mul3A_54 = arith.constant 8.000000e-01 : f32
      %mul3A_55 = vector.broadcast %mul3A_54 : f32 to vector<16xf32>
      %mul3A_56 = arith.mulf %mul3A_55, %sub3A_53 : vector<16xf32>
      %add3A_57 = arith.addf %mul3A_49, %mul3A_56 : vector<16xf32>
      %sub3A_58 = arith.constant 1.000000e+00 : f32
      %sub3A_59 = vector.broadcast %sub3A_58 : f32 to vector<16xf32>
      %sub3A_60 = arith.subf %sub3A_59, %scan3A_42#2 : vector<16xf32>
      %mul3A_61 = arith.constant 4.800000e-01 : f32
      %mul3A_62 = vector.broadcast %mul3A_61 : f32 to vector<16xf32>
      %mul3A_63 = arith.mulf %mul3A_62, %sub3A_60 : vector<16xf32>
      %add3A_64 = arith.addf %add3A_57, %mul3A_63 : vector<16xf32>
      %mul3A_65 = arith.constant 2.000000e-02 : f32
      %mul3A_66 = vector.broadcast %mul3A_65 : f32 to vector<16xf32>
      %mul3A_67 = arith.mulf %mul3A_66, %add3A_64 : vector<16xf32>
      %swap3A_68 = arith.constant 16 : index
      %swap3A_69 = tpu.vector_load %arg16[%swap3A_68] {strides = array<i32>} : memref<32xf32, #tpu.memory_space<vmem>>, vector<16xf32>,
      tpu.vector_store %arg16[%swap3A_68], %mul3A_67 {strides = array<i32>} : memref<32xf32, #tpu.memory_space<vmem>>, vector<16xf32>,
      %mul3A_70 = arith.constant 16 : i32
      %mul3A_71 = arith.muli %arg1, %mul3A_70 : i32
      "tpu.region"() ({
        %run_scoped3A = tpu.sem_alloc : memref<!tpu.dma_semaphore, #tpu.memory_space<semaphore_mem>>
        %dma_start3A = arith.constant 0 : i32
        %dma_start3A_76 = tpu.memref_slice %arg16[%dma_start3A] : memref<32xf32, #tpu.memory_space<vmem>> -> memref<16xf32, #tpu.memory_space<vmem>>
        %dma_start3A_77 = tpu.memref_slice %arg8[%mul3A_71] : memref<192xf32, #tpu.memory_space<hbm>> -> memref<16xf32, #tpu.memory_space<hbm>>
        %dma_start3A_78 = tpu.memref_slice %arg8[%mul3A_71] : memref<192xf32, #tpu.memory_space<hbm>> -> memref<16xf32, #tpu.memory_space<hbm>>
        %dma_start3A_79 = arith.constant 0 : i32
        %dma_start3A_80 = tpu.memref_slice %arg16[%dma_start3A_79] : memref<32xf32, #tpu.memory_space<vmem>> -> memref<16xf32, #tpu.memory_space<vmem>>
        tpu.enqueue_dma source(%dma_start3A_80 : memref<16xf32, #tpu.memory_space<vmem>>) target(%dma_start3A_78 : memref<16xf32, #tpu.memory_space<hbm>>) target_semaphore(%run_scoped3A : memref<!tpu.dma_semaphore, #tpu.memory_space<semaphore_mem>>)
        %dma_wait3A = arith.constant 0 : i32
        %dma_wait3A_81 = tpu.memref_slice %arg16[%dma_wait3A] : memref<32xf32, #tpu.memory_space<vmem>> -> memref<16xf32, #tpu.memory_space<vmem>>
        %dma_wait3A_82 = tpu.memref_slice %arg8[%mul3A_71] : memref<192xf32, #tpu.memory_space<hbm>> -> memref<16xf32, #tpu.memory_space<hbm>>
        %dma_wait3A_83 = tpu.memref_slice %arg8[%mul3A_71] : memref<192xf32, #tpu.memory_space<hbm>> -> memref<16xf32, #tpu.memory_space<hbm>>
        %dma_wait3A_84 = arith.constant 0 : i32
        %dma_wait3A_85 = tpu.memref_slice %arg16[%dma_wait3A_84] : memref<32xf32, #tpu.memory_space<vmem>> -> memref<16xf32, #tpu.memory_space<vmem>>
        tpu.wait_dma2 semaphore(%run_scoped3A : memref<!tpu.dma_semaphore, #tpu.memory_space<semaphore_mem>>) src(%dma_wait3A_85 : memref<16xf32, #tpu.memory_space<vmem>>) dst(%dma_wait3A_83 : memref<16xf32, #tpu.memory_space<hbm>>)
        tpu.yield
      }) : () -> ()
      %mul3A_72 = arith.constant 16 : i32
      %mul3A_73 = arith.muli %arg1, %mul3A_72 : i32
      %add3A_74 = arith.constant 96 : i32
      %add3A_75 = arith.addi %add3A_74, %mul3A_73 : i32
      "tpu.region"() ({
        %run_scoped3A = tpu.sem_alloc : memref<!tpu.dma_semaphore, #tpu.memory_space<semaphore_mem>>
        %dma_start3A = arith.constant 16 : i32
        %dma_start3A_76 = tpu.memref_slice %arg16[%dma_start3A] : memref<32xf32, #tpu.memory_space<vmem>> -> memref<16xf32, #tpu.memory_space<vmem>>
        %dma_start3A_77 = tpu.memref_slice %arg8[%add3A_75] : memref<192xf32, #tpu.memory_space<hbm>> -> memref<16xf32, #tpu.memory_space<hbm>>
        %dma_start3A_78 = tpu.memref_slice %arg8[%add3A_75] : memref<192xf32, #tpu.memory_space<hbm>> -> memref<16xf32, #tpu.memory_space<hbm>>
        %dma_start3A_79 = arith.constant 16 : i32
        %dma_start3A_80 = tpu.memref_slice %arg16[%dma_start3A_79] : memref<32xf32, #tpu.memory_space<vmem>> -> memref<16xf32, #tpu.memory_space<vmem>>
        tpu.enqueue_dma source(%dma_start3A_80 : memref<16xf32, #tpu.memory_space<vmem>>) target(%dma_start3A_78 : memref<16xf32, #tpu.memory_space<hbm>>) target_semaphore(%run_scoped3A : memref<!tpu.dma_semaphore, #tpu.memory_space<semaphore_mem>>)
        %dma_wait3A = arith.constant 16 : i32
        %dma_wait3A_81 = tpu.memref_slice %arg16[%dma_wait3A] : memref<32xf32, #tpu.memory_space<vmem>> -> memref<16xf32, #tpu.memory_space<vmem>>
        %dma_wait3A_82 = tpu.memref_slice %arg8[%add3A_75] : memref<192xf32, #tpu.memory_space<hbm>> -> memref<16xf32, #tpu.memory_space<hbm>>
        %dma_wait3A_83 = tpu.memref_slice %arg8[%add3A_75] : memref<192xf32, #tpu.memory_space<hbm>> -> memref<16xf32, #tpu.memory_space<hbm>>
        %dma_wait3A_84 = arith.constant 16 : i32
        %dma_wait3A_85 = tpu.memref_slice %arg16[%dma_wait3A_84] : memref<32xf32, #tpu.memory_space<vmem>> -> memref<16xf32, #tpu.memory_space<vmem>>
        tpu.wait_dma2 semaphore(%run_scoped3A : memref<!tpu.dma_semaphore, #tpu.memory_space<semaphore_mem>>) src(%dma_wait3A_85 : memref<16xf32, #tpu.memory_space<vmem>>) dst(%dma_wait3A_83 : memref<16xf32, #tpu.memory_space<hbm>>)
        tpu.yield
      }) : () -> ()
    } else {
    }
    return
  }
}

</mosaic_0001>

<sc_bundles>
// kernel: kernel.3.cloned.1.call-start
scs
__scs_entry_jumppad:
0x0: {  	(pc) =	sbr.rel $0x88, $3  }
0x1: {  	(tag) =	ssettag $0x0;
	lr =	simm.s32 $0x1  }
0x2: {  	[smem:$0x3F9A] =	sst lr;
	_ =	strace $0xD0000000  }
0x3: {  	_ = 	snop  }
0x4: {  	_ = 	snop  }
0x5: {  	_ = 	snop  }
0x6: {  	_ = 	snop  }
0x7: {  	_ = 	snop  }
__scs_overlays_trampoline_lowered:
0x8: {  	[smem:$0x3FA9] =	sst s0  }
0x9: {  	[smem:$0x3FAA] =	sst s1  }
0xa: {  	[smem:$0x3FAB] =	sst s2  }
0xb: {  	[smem:$0x3FAC] =	sst s3  }
0xc: {  	[smem:$0x3FAD] =	sst s4  }
0xd: {  	[smem:$0x3FAE] =	sst s5  }
0xe: {  	[smem:$0x3FAF] =	sst s6  }
0xf: {  	[smem:$0x3FB0] =	sst s7  }
0x10: {  	[smem:$0x3FB1] =	sst s8  }
0x11: {  	[smem:$0x3FB2] =	sst s9;
	s0 =	simm.s32 @!p0 $0x0  }
0x12: {  	s1 =	sld [smem:$0x3F98];
	s0 =	simm.s32 @p0 $0x1  }
0x13: {  	[smem:$0x3FB3] =	sst s0;
	s0 =	simm.s32 @!p1 $0x0  }
0x14: {  	s2 =	sld [smem:$0x3F97];
	s0 =	simm.s32 @p1 $0x1  }
0x15: {  	[smem:$0x3FB4] =	sst s0;
	s0 =	simm.s32 @!p2 $0x0  }
0x16: {  	s3 =	sld [smem:$0x3FDB];
	s0 =	simm.s32 @p2 $0x1  }
0x17: {  	s4 =	simm.s32 $0x1BF5;
	[smem:$0x3FB6] =	sst s0  }
0x18: {  	s0 =	sld [smem:$0x3F99];
	_ =	swait.ge [sflag:s4], $0x0  }
0x19: {  	s7 =	sld [smem:$0x3F9A]  }
0x1a: {  	s8 =	sadd.s32 $0xFFFFE003, lr  }
0x1b: {  	s9 =	sadd.s32 $0xFFFFFEF7, lr;
	s5 =	simm.s32 $0xFFFFFFFF;
	p2 =	slt.u32 s8, $0xFFFFF086  }
0x1c: {  	p1 =	slt.u32 s9, $0xF7A;
	s5 =	simm.s32 @!p2 $0x0  }
0x1d: {  	s5 =	simm.s32 @p1 $0x1;
	p0 =	seq.s32 s7, s2  }
0x1e: {  	s7 =	smul.u32 @!p0 $0xF7A, s2;
	p2 =	seq.s32 @!p0 s5, $0x0  }
0x1f: {  	s9 =	smul.u32 $0xF7A, s1;
	s8 =	simm.s32 @!p0 $0x1BF5;
	p2 =	por !p2, p0  }
0x20: {  	[sflag:s8] =	ssyncset.s32 @!p0 $0xFFFFF086;
	s6 =	sadd.s32 @!p0 s3, s7;
	s7 =	simm.s32 @!p0 $0x108  }
0x21: {  	s3 =	sadd.s32 s3, s9;
	s6 =	sadd.s32 @!p0 $0x88, s6;
	s7 =	simm.s32 @p2 $0x1082  }
0x22: {  	[simem:s7], [sflag:s8] =	dma.local @!p0 [hbm:s6], $0xF7A  }
0x23: {  	s9 =	sor.u32 $0xD0000000, s2;
	s6 =	simm.s32 $0x108;
	_ =	swait.ge @!p0 [sflag:s8], $0x0  }
0x24: {  	s3 =	sadd.s32 $0x88, s3;
	s6 =	simm.s32 @!p1 $0x1082;
	[sflag:s4] =	ssyncset.s32 $0xFFFFF086  }
0x25: {  	[simem:s6], [sflag:s4] =	dma.local [hbm:s3], $0xF7A  }
0x26: {  	[smem:$0x3F9A] =	sst s1;
	(tag) =	ssettag s2;
	_ =	strace s9  }
0x27: {  	s1 =	sld [smem:$0x3FAA]  }
0x28: {  	s2 =	sld [smem:$0x3FAB]  }
0x29: {  	s4 =	sld [smem:$0x3FAD]  }
0x2a: {  	p0 =	seq.s32 s5, $0x0;
	s5 =	sld [smem:$0x3FAE]  }
0x2b: {  	s6 =	sld [smem:$0x3FAF]  }
0x2c: {  	s7 =	sld [smem:$0x3FB0]  }
0x2d: {  	s3 =	simm.s32 $0x108;
	s8 =	sld [smem:$0x3FB1]  }
0x2e: {  	s3 =	simm.s32 @!p0 $0x1082;
	s9 =	sld [smem:$0x3FB2]  }
0x2f: {  	lr =	sadd.s32 s0, s3;
	s0 =	sld [smem:$0x3FA9]  }
0x30: {  	s3 =	sld [smem:$0x3FAC]  }
0x31: {  	[smem:$0x3FB5] =	sst s10  }
0x32: {  	s10 =	sld [smem:$0x3FB3];
	_ =	sdelay $0x3  }
0x33: {  	p0 =	seq.s32 s10, $0x1;
	s10 =	sld [smem:$0x3FB5];
	_ =	sdelay $0x3  }
0x34: {  	[smem:$0x3FB5] =	sst s10  }
0x35: {  	s10 =	sld [smem:$0x3FB4];
	_ =	sdelay $0x3  }
0x36: {  	p1 =	seq.s32 s10, $0x1;
	s10 =	sld [smem:$0x3FB5];
	_ =	sdelay $0x3  }
0x37: {  	[smem:$0x3FB5] =	sst s10  }
0x38: {  	s10 =	sld [smem:$0x3FB6]  }
0x39: {  	_ = 	snop;
	(pc) =	sbr.ind lr, $3  }
0x3a: {  	_ = 	snop  }
0x3b: {  	_ = 	snop  }
0x3c: {  	p2 =	seq.s32 s10, $0x1;
	s10 =	sld [smem:$0x3FB5]  }
0x3d: {  	_ =	shalt  }
0x3e: {  	_ =	shalt  }
0x3f: {  	_ =	shalt  }
0x40: {  	_ =	shalt  }
0x41: {  	_ =	shalt  }
0x42: {  	_ =	shalt  }
0x43: {  	_ =	shalt  }
0x44: {  	_ =	shalt  }
0x45: {  	_ =	shalt  }
0x46: {  	_ =	shalt  }
0x47: {  	_ =	shalt  }
0x48: {  	_ =	shalt  }
0x49: {  	_ =	shalt  }
0x4a: {  	_ =	shalt  }
0x4b: {  	_ =	shalt  }
0x4c: {  	_ =	shalt  }
0x4d: {  	_ =	shalt  }
0x4e: {  	_ =	shalt  }
0x4f: {  	_ =	shalt  }
0x50: {  	_ =	shalt  }
0x51: {  	_ =	shalt  }
0x52: {  	_ =	shalt  }
0x53: {  	_ =	shalt  }
0x54: {  	_ =	shalt  }
0x55: {  	_ =	shalt  }
0x56: {  	_ =	shalt  }
0x57: {  	_ =	shalt  }
0x58: {  	_ =	shalt  }
0x59: {  	_ =	shalt  }
0x5a: {  	_ =	shalt  }
0x5b: {  	_ =	shalt  }
0x5c: {  	_ =	shalt  }
0x5d: {  	_ =	shalt  }
0x5e: {  	_ =	shalt  }
0x5f: {  	_ =	shalt  }
0x60: {  	_ =	shalt  }
0x61: {  	_ =	shalt  }
0x62: {  	_ =	shalt  }
0x63: {  	_ =	shalt  }
0x64: {  	_ =	shalt  }
0x65: {  	_ =	shalt  }
0x66: {  	_ =	shalt  }
0x67: {  	_ =	shalt  }
0x68: {  	_ =	shalt  }
0x69: {  	_ =	shalt  }
0x6a: {  	_ =	shalt  }
0x6b: {  	_ =	shalt  }
0x6c: {  	_ =	shalt  }
0x6d: {  	_ =	shalt  }
0x6e: {  	_ =	shalt  }
0x6f: {  	_ =	shalt  }
0x70: {  	_ =	shalt  }
0x71: {  	_ =	shalt  }
0x72: {  	_ =	shalt  }
0x73: {  	_ =	shalt  }
0x74: {  	_ =	shalt  }
0x75: {  	_ =	shalt  }
0x76: {  	_ =	shalt  }
0x77: {  	_ =	shalt  }
0x78: {  	_ =	shalt  }
0x79: {  	_ =	shalt  }
0x7a: {  	_ =	shalt  }
0x7b: {  	_ =	shalt  }
0x7c: {  	_ =	shalt  }
0x7d: {  	_ =	shalt  }
0x7e: {  	_ =	shalt  }
0x7f: {  	_ =	shalt  }
0x80: {  	_ =	shalt  }
0x81: {  	_ =	shalt  }
0x82: {  	_ =	shalt  }
0x83: {  	_ =	shalt  }
0x84: {  	_ =	shalt  }
0x85: {  	_ =	shalt  }
0x86: {  	_ =	shalt  }
0x87: {  	_ =	shalt  }
.Lfunc_end0:
.L_simem_size_0:
called_computation_lowered:
.L_overlay_start_0:
0x88: {  	s2 =	sld [smem:$0x3FD9]  }
0x89: {  	s3 =	sld [smem:$0x3FFE];
	_ =	sdelay $0x1  }
0x8a: {  	s1 =	srdreg.scid  }
0x8b: {  	s0 =	sand.u32 $0x1, s1  }
0x8c: {  	s16 =	sshll.u32 s0, $0xA;
	s2 =	sadd.s32 s3, s2  }
0x8d: {  	s2 =	sadd.s32 s2, s16  }
0x8e: {  	[smem:$0x3FC1] =	sst s2  }
0x8f: {  	_ = 	snop  }
0x90: {  	(tm) =	ssettm $0x1  }
0x91: {  	s17 =	sld [smem:$0x3FFB];
	_ =	sdelay $0x3  }
0x92: {  	_ =	strace s17  }
0x93: {  	s2 =	sld [smem:$0x3FFC];
	_ =	sdelay $0x3  }
0x94: {  	_ =	strace s2  }
0x95: {  	s2 =	sld [smem:$0x3FFD];
	_ =	sdelay $0x3  }
0x96: {  	_ =	strace s2  }
0x97: {  	_ =	strace $0x8FFFFFFF  }
0x98: {  	s18 =	sld [smem:$0x3FDB];
	_ =	sdelay $0x1  }
0x99: {  	s19 =	simm.s32 $_scs_section_size  }
0x9a: {  	s4 =	simm.s32 $_size__tile_overlayer_lowered;
	s5 =	simm.s32 $_tile_overlayer_lowered  }
0x9b: {  	s22 =	simm.s32 $0x1BFF;
	s21 =	sshll.u32 s5, $0x1;
	s2 =	sadd.s32 s19, s18  }
0x9c: {  	s6 =	simm.s32 $0x0;
	s20 =	sshll.u32 s4, $0x1;
	s4 =	sadd.s32 s21, s2  }
0x9d: {  	[timem:s6], [sflag:s22] =	dma.local [hbm:s4], s20  }
0x9e: {  	_ =	swait.ge [sflag:s22], s20  }
0x9f: {  	s3 =	ssub.s32 $0x0, s20;
	[sflag:s22] =	ssyncset.done $0x0  }
0xa0: {  	[sflag:s22] =	ssyncadd.s32 s3;
	_ =	sdelay $0x1  }
0xa1: {  	s23 =	simm.s32 $0x1B8B  }
0xa2: {  	_ =	swait.ge [sflag:s23], $0x1  }
0xa3: {  	[sflag:s23] =	ssyncset.done $0x0  }
0xa4: {  	s25 =	simm.s32 $0x1B8E;
	s24 =	sld [smem:$0x3FFE];
	[sflag:s23] =	ssyncadd.s32 $0xFFFFFFFF  }
0xa5: {  	s26 =	simm.s32 $execute0_lowered;
	[smem:$0x3FD2] =	sst s25  }
0xa6: {  	s4 =	sshll.u32 s26, $0x1;
	_ =	strace $0x80000046;
	[dreg:$0x1] =	wrdreg $0xFFFFFFFF  }
0xa7: {  	s28 =	simm.s32 $_size_execute0_lowered;
	s2 =	sadd.s32 s2, s4;
	[dreg:$0x0] =	wrdreg $0x0  }
0xa8: {  	s4 =	sshll.u32 s28, $0x1;
	[dreg:$0x2] =	wrdreg s2  }
0xa9: {  	[dreg:$0x3] =	wrdreg s4  }
0xaa: {  	[dreg:$0x4] =	wrdreg $0xC0  }
0xab: {  	_ =	task [dreg:s6], $0x5FFFF  }
0xac: {  	[dreg:$0x1] =	wrdreg $0xFFFFFFFF  }
0xad: {  	[dreg:$0x0] =	wrdreg $0x60  }
0xae: {  	[dreg:$0x2] =	wrdreg s24  }
0xaf: {  	[dreg:$0x3] =	wrdreg $0xC8000  }
0xb0: {  	[dreg:$0x4] =	wrdreg $0x9  }
0xb1: {  	_ =	task.clear_ibuf [dreg:s6], $0x5FFFF;
	_ =	strace $0x90000046  }
0xb2: {  	s29 =	simm.s32 $0x9;
	_ =	strace $0x80000048  }
0xb3: {  	_ =	swait.ge [sflag:s29], $0x1  }
0xb4: {  	[sflag:s29] =	ssyncadd.s32 $0xFFFFFFFF  }
0xb5: {  	_ =	strace $0x90000048  }
0xb6: {  	_ =	sfence  }
0xb7: {  	s30 =	sld [smem:$0x0];
	_ =	sdelay $0x2  }
0xb8: {  	s31 =	sshll.u32 s1, $0xD;
	s1 =	sshrl.u32 s1, $0x2  }
0xb9: {  	s3 =	sand.u32 $0x4000, s31;
	s1 =	sadd.s32 s1, s30  }
0xba: {  	s0 =	sor.u32 s3, s0;
	s1 =	sshll.u32 s1, $0x11  }
0xbb: {  	s0 =	sor.u32 s1, s0  }
0xbc: {  	s0 =	sadd.s32 $0x8F2B, s0  }
0xbd: {  	[sflag:s0] =	ssyncadd.remote.s32 $0x1  }
0xbe: {  	_ =	sfence.sel $0xFFFF  }
0xbf: {  	[dreg:$0x0] =	wrdreg $0xFFFFFFFF;
	(pc) =	sbr.abs _section_cstart, $3  }
0xc0: {  	[dreg:$0x1] =	wrdreg $0xFFFFFFFF  }
0xc1: {  	_ =	task.clear_ibuf [dreg:s6], $0x2FFFF;
	_ =	strace $0x9FFFFFFF  }
0xc2: {  	(tm) =	ssettm $0x7FFFFFFF  }
0xc3: {  	_ =	shalt  }
tec
execute0_lowered:
.L_overlay_start_1:
0x0: {  	(tag) =	ssettag $0x1  }
0x1: {  	s8 =	rddreg [dreg:$0x0]  }
0x2: {  	s2 =	rddreg [dreg:$0x1]  }
0x3: {  	s0 =	rddreg [dreg:$0x2];
	s3 =	simm.s32 $0x0  }
0x4: {  	s1 =	stileid.u32;
	[smem:$0x7FF] =	sst s3  }
0x5: {  	v0 =	vimm.f32 $3.000000000e+00;
	s7 =	srdreg.scid;
	s15 =	simm.s32 $0x2;
	_ =	strace $0x80000047  }
0x6: {  	s16 =	simm.s32 $0x8400;
	s17 =	simm.s32 $0x8980;
	s18 =	simm.s32 $0xA780;
	(erf) = vrcp.f32 v0;
	v0 =	vimm.f32 $9.800000190e-01  }
0x7: {  	s19 =	simm.s32 $0xC580;
	s20 =	simm.s32 $0xC700;
	s21 =	simm.s32 $0x1;
	(erf) = vrcp.f32 v0;
	v0 =	vimm.f32 $4.000000060e-01  }
0x8: {  	s4 =	smul.u32 $0xA8, s1;
	s5 =	sadd.s32 $0x1E00, s8;
	s6 =	sadd.s32 $0x2200, s8;
	(erf) = vrcp.f32 v0  }
0x9: {  	s22 =	sand.u32 $0x1, s7;
	s7 =	sadd.s32 $0x2400, s8;
	s10 =	sshll.u32 s1, $0x1  }
0xa: {  	p1 =	slt.u32 s1, $0x6;
	s11 =	ssub.s32 $0x2, s22;
	p0 =	seq.s32 s22, $0x0  }
0xb: {  	s13 =	sadd.s32 s10, s8;
	s10 =	sshll.u32 s1, $0x4;
	s9 =	sadd.s32 s4, s8  }
0xc: {  	s4 =	sadd.s32 $0x1A00, s8;
	s12 =	sshrl.u32 s11, $0x1;
	p0 =	por !p0, !p1  }
.Ltmp0:
0xd: {  	s23 =	sadd.s32 $0x6060, s10;
	s24 =	sadd.s32 $0x6F60, s10;
	(pc) =	sbr.rel .LBB2_1-.Ltmp0, $4  }
0xe: {  	p1 =	sne.s32 s22, $0x0;
	s22 =	simm.s32 $0xC780;
	s14 =	ssub.s32 s11, s12  }
0xf: {  	p0 =	por !p0, !p0;
	s8 =	sadd.s32 $0x1200, s9;
	s9 =	sadd.s32 $0x1600, s9;
	v0 =	vpop (erf)  }
0x10: {  	s11 =	sadd.s32 $0x3400, s13;
	s12 =	sadd.s32 $0x340C, s13;
	v4 =	vmov s23;
	s23 =	simm.s32 $0xC790;
	v1 =	vpop (erf)  }
0x11: {  	v2 =	vimm.f32 $0.0e+00;
	v5 =	vmov s10;
	v6 =	vmov s24;
	s24 =	simm.s32 $0x0;
	s13 =	smax.u32 s14, $0x1;
	s14 =	simm.s32 $0x7E80;
	v3 =	vpop (erf)  }
.LBB2_14:
0x12: {  	s24 =	sadd.s32 $0x1, s24  }
0x13: {  	p2 =	sne.s32 s24, s13  }
.Ltmp1:
0x14: {  	_ = 	snop;
	(pc) =	sbr.rel @!p2 .LBB2_15-.Ltmp1, $1  }
0x15: {  	_ =	sdelay $0x3  }
.LBB2_1:
.Ltmp2:
0x16: {  	(pc) =	sbr.rel @!p0 .LBB2_3-.Ltmp2, $1  }
0x17: {  	_ =	sdelay $0x3  }
0x18: {  	[tilespmem:s14], [sflag:$0x2] =	stream.linear.gather [hbm4b:s8+s3], $0x540, $0x38;
	[tilespmem:$0xC810] =	vst v63  }
0x19: {  	_ =	swait.ge [sflag:s15], $0x540  }
0x1a: {  	[sflag:s15] =	ssyncset.done $0x0  }
0x1b: {  	[sflag:s15] =	ssyncadd.s32 $0xFFFFFAC0  }
0x1c: {  	[tilespmem:s16], [sflag:$0x2] =	stream.linear.gather [hbm4b:s9+s3], $0x540, $0x38;
	[tilespmem:$0xC810] =	vst v63  }
0x1d: {  	_ =	swait.ge [sflag:s15], $0x540  }
0x1e: {  	[sflag:s15] =	ssyncset.done $0x0  }
0x1f: {  	[sflag:s15] =	ssyncadd.s32 $0xFFFFFAC0  }
0x20: {  	[tilespmem:s17], [sflag:$0x2] =	stream.linear.gather [hbm4b:s4+s3], $0x1E00, $0x38;
	[tilespmem:$0xC810] =	vst v63  }
0x21: {  	_ =	swait.ge [sflag:s15], $0x1E00  }
0x22: {  	[sflag:s15] =	ssyncset.done $0x0  }
0x23: {  	[sflag:s15] =	ssyncadd.s32 $0xFFFFE200  }
0x24: {  	[tilespmem:s18], [sflag:$0x2] =	stream.linear.gather [hbm4b:s5+s3], $0x1E00, $0x38;
	[tilespmem:$0xC810] =	vst v63  }
0x25: {  	_ =	swait.ge [sflag:s15], $0x1E00  }
0x26: {  	[sflag:s15] =	ssyncset.done $0x0  }
0x27: {  	[sflag:s15] =	ssyncadd.s32 $0xFFFFE200  }
0x28: {  	[tilespmem:s19], [sflag:$0x2] =	stream.linear.gather [hbm4b:s6+s3], $0x180, $0x38;
	[tilespmem:$0xC810] =	vst v63  }
0x29: {  	_ =	swait.ge [sflag:s15], $0x180  }
0x2a: {  	[sflag:s15] =	ssyncset.done $0x0  }
0x2b: {  	[sflag:s15] =	ssyncadd.s32 $0xFFFFFE80  }
0x2c: {  	[tilespmem:s3], [sflag:$0x2] =	stream.linear.gather [hbm4b:s7+s3], $0x7E80, $0x38;
	[tilespmem:$0xC810] =	vst v63  }
0x2d: {  	_ =	swait.ge [sflag:s15], $0x7E80  }
0x2e: {  	[sflag:s15] =	ssyncset.done $0x0  }
0x2f: {  	[sflag:s15] =	ssyncadd.s32 $0xFFFF8180  }
0x30: {  	v7 =	vld [tilespmem:s10+$0xC640];
	_ =	sdelay $0x4  }
0x31: {  	[tilespmem:$0xC700] =	vst v7  }
0x32: {  	v7 =	vld [tilespmem:s10+$0xC6A0]  }
.Ltmp3:
0x33: {  	_ = 	snop;
	(pc) =	sbr.rel .LBB2_4-.Ltmp3, $2  }
0x34: {  	_ =	sdelay $0x2  }
0x35: {  	[tilespmem:$0xC710] =	vst v7  }
.LBB2_3:
.Ltmp4:
0x36: {  	(pc) =	sbr.rel @p1 .LBB2_14-.Ltmp4, $1  }
0x37: {  	_ =	sdelay $0x3  }
.LBB2_4:
.Ltmp5:
0x38: {  	(pc) =	sbr.rel .LBB2_5-.Ltmp5, $2  }
0x39: {  	_ =	sdelay $0x2  }
0x3a: {  	s25 =	simm.s32 $0x0  }
.LBB2_16:
0x3b: {  	s25 =	sadd.s32 $0x1, s25  }
0x3c: {  	p2 =	seq.s32 s25, $0x50  }
.Ltmp6:
0x3d: {  	_ = 	snop;
	(pc) =	sbr.rel @p2 .LBB2_14-.Ltmp6, $2  }
0x3e: {  	_ =	sdelay $0x1  }
0x3f: {  	[bflag:$0x0] =	sbarrier.arrive $0xFFFF;
	_ =	sdelay $0x1  }
.LBB2_5:
.Ltmp7:
0x40: {  	(pc) =	sbr.rel @!p0 .LBB2_16-.Ltmp7, $1  }
0x41: {  	_ =	sdelay $0x3  }
0x42: {  	s26 =	smul.u32 $0x60, s25;
	_ =	sdelay $0x1  }
0x43: {  	v7 =	vld [tilespmem:s26+$0x8980]  }
0x44: {  	v8 =	vld [tilespmem:s26+$0x8990]  }
0x45: {  	v9 =	vld [tilespmem:s26+$0x89A0];
	_ =	sdelay $0x2  }
0x46: {  	[tilespmem:s26+$0x6060] =	vst v7  }
0x47: {  	s28 =	sand.u32 $0x3FE0, s26;
	[tilespmem:s26+$0x6070] =	vst v8  }
0x48: {  	[tilespmem:s28+$0x6080] =	vst v9  }
0x49: {  	v7 =	vld [tilespmem:s26+$0x89B0]  }
0x4a: {  	v8 =	vld [tilespmem:s26+$0x89C0]  }
0x4b: {  	v9 =	vld [tilespmem:s26+$0x89D0];
	_ =	sdelay $0x2  }
0x4c: {  	[tilespmem:s26+$0x6090] =	vst v7  }
0x4d: {  	[tilespmem:s26+$0x60A0] =	vst v8  }
0x4e: {  	s28 =	simm.s32 $0x0;
	[tilespmem:s26+$0x60B0] =	vst v9  }
0x4f: {  	v7 =	vld [tilespmem:s28+$0x7ED0]  }
0x50: {  	v9 =	vld [tilespmem:s28+$0x7EC0]  }
0x51: {  	v11 =	vld [tilespmem:s28+$0x8400]  }
0x52: {  	v15 =	vld [tilespmem:s28+$0x7EB0]  }
0x53: {  	v12 =	vld [tilespmem:s28+$0x8410]  }
0x54: {  	v16 =	vld [tilespmem:s28+$0x7EA0]  }
0x55: {  	v10 =	vmov s26;
	v13 =	vld [tilespmem:s28+$0x8420]  }
0x56: {  	v8 =	vadd.s32 $0x60, v10;
	v17 =	vld [tilespmem:s28+$0x7E90];
	v14 =	vadd.s32 v10, v11  }
0x57: {  	v18 =	vld [tilespmem:s28+$0x8430];
	v11 =	vadd.s32 v8, v11  }
0x58: {  	v19 =	vld [tilespmem:s28+$0x7E80];
	v20 =	vadd.s32 v10, v12  }
0x59: {  	v21 =	vld [tilespmem:s28+$0x8440];
	v12 =	vadd.s32 v8, v12  }
0x5a: {  	v23 =	vld [tilespmem:s28+$0x8450];
	v22 =	vadd.s32 v10, v13  }
0x5b: {  	v13 =	vadd.s32 v8, v13;
	v14 =	vld.idx.msk [tilespmem:v14+s3+$0x0], $0xffff  }
0x5c: {  	v24 =	vadd.s32 v10, v18;
	v11 =	vld.idx.msk [tilespmem:v11+s3+$0x0], $0xffff  }
0x5d: {  	v18 =	vadd.s32 v8, v18;
	v20 =	vld.idx.msk [tilespmem:v20+s3+$0x0], $0xffff  }
0x5e: {  	v25 =	vadd.s32 v10, v21;
	v12 =	vld.idx.msk [tilespmem:v12+s3+$0x0], $0xffff  }
0x5f: {  	v27 =	vadd.s32 v10, v23;
	v22 =	vld.idx.msk [tilespmem:v22+s3+$0x0], $0xffff  }
0x60: {  	v21 =	vadd.s32 v8, v21;
	v26 =	vld.idx.msk [tilespmem:v13+s3+$0x0], $0xffff  }
0x61: {  	v23 =	vadd.s32 v8, v23;
	v24 =	vld.idx.msk [tilespmem:v24+s3+$0x0], $0xffff  }
0x62: {  	v28 =	vld.idx.msk [tilespmem:v18+s3+$0x0], $0xffff;
	v13 =	vmul.f32 v14, v19;
	v11 =	vmul.f32 v11, v19  }
0x63: {  	v25 =	vld.idx.msk [tilespmem:v25+s3+$0x0], $0xffff;
	v14 =	vimm.f32 $0.0e+00;
	v19 =	vmul.f32 v20, v17  }
0x64: {  	v18 =	vld.idx.msk [tilespmem:v27+s3+$0x0], $0xffff;
	v12 =	vmul.f32 v12, v17;
	v20 =	vadd.f32 v13, v14;
	v11 =	vadd.f32 v11, v14  }
0x65: {  	v17 =	vmul.f32 v22, v16;
	v13 =	vld.idx.msk [tilespmem:v21+s3+$0x0], $0xffff  }
0x66: {  	s30 =	simm.s32 $0x60;
	v16 =	vmul.f32 v26, v16;
	v14 =	vld.idx.msk [tilespmem:v23+s3+$0x0], $0xffff;
	v20 =	vadd.f32 v19, v20;
	v21 =	vadd.f32 v12, v11  }
0x67: {  	s28 =	sand.u32 $0x1, s25;
	v11 =	vld [tilespmem:s30+$0x7ED0];
	v19 =	vmul.f32 v24, v15  }
0x68: {  	s29 =	simm.s32 $0x60;
	p2 =	seq.s32 s28, $0x1;
	v12 =	vld [tilespmem:s30+$0x7EC0];
	v20 =	vadd.f32 v17, v20;
	v16 =	vadd.f32 v16, v21;
	v17 =	vmul.f32 v28, v15  }
0x69: {  	s31 =	simm.s32 $0x300;
	s28 =	sadd.s32 $0x6060, s26;
	s29 =	simm.s32 @!p2 $0x0;
	v15 =	vld [tilespmem:s30+$0x8400];
	v21 =	vmul.f32 v25, v9  }
.LBB2_7:
0x6a: {  	p2 =	sne.s32 s31, $0x1380;
	v22 =	vld [tilespmem:s30+$0x7EB0];
	v19 =	vadd.f32 v19, v20;
	v16 =	vadd.f32 v17, v16;
	v23 =	vmul.f32 v13, v9  }
0x6b: {  	v17 =	vmul.f32 v18, v7;
	v13 =	vld [tilespmem:s30+$0x8410]  }
0x6c: {  	v14 =	vmul.f32 v14, v7;
	v20 =	vld [tilespmem:s30+$0x7EA0];
	v18 =	vadd.f32 v21, v19;
	v16 =	vadd.f32 v23, v16;
	v7 =	vmovc v11  }
0x6d: {  	v11 =	vld [tilespmem:s30+$0x8420];
	v9 =	vmov v12  }
0x6e: {  	v12 =	vadd.s32 v10, v15;
	v19 =	vld [tilespmem:s30+$0x7E90];
	v17 =	vadd.f32 v17, v18;
	v14 =	vadd.f32 v14, v16  }
0x6f: {  	v15 =	vadd.s32 v8, v15;
	v16 =	vld [tilespmem:s30+$0x8430]  }
0x70: {  	v18 =	vld [tilespmem:s30+$0x7E80];
	v21 =	vadd.s32 v10, v13  }
0x71: {  	v13 =	vadd.s32 v8, v13;
	v23 =	vld [tilespmem:s30+$0x8440]  }
0x72: {  	v24 =	vadd.s32 v10, v11;
	v25 =	vld [tilespmem:s30+$0x8450]  }
0x73: {  	v11 =	vadd.s32 v8, v11;
	v12 =	vld.idx.msk [tilespmem:v12+s3+$0x0], $0xffff  }
0x74: {  	v15 =	vld.idx.msk [tilespmem:v15+s3+$0x0], $0xffff;
	v26 =	vadd.s32 v10, v16  }
0x75: {  	v16 =	vadd.s32 v8, v16;
	v21 =	vld.idx.msk [tilespmem:v21+s3+$0x0], $0xffff  }
0x76: {  	v13 =	vld.idx.msk [tilespmem:v13+s3+$0x0], $0xffff;
	v27 =	vadd.s32 v10, v23  }
0x77: {  	v23 =	vadd.s32 v8, v23;
	v24 =	vld.idx.msk [tilespmem:v24+s3+$0x0], $0xffff  }
0x78: {  	v28 =	vadd.s32 v10, v25;
	v11 =	vld.idx.msk [tilespmem:v11+s3+$0x0], $0xffff  }
0x79: {  	v25 =	vadd.s32 v8, v25;
	v26 =	vld.idx.msk [tilespmem:v26+s3+$0x0], $0xffff  }
0x7a: {  	v12 =	vmul.f32 v12, v18;
	v15 =	vmul.f32 v15, v18;
	v29 =	vld.idx.msk [tilespmem:v16+s3+$0x0], $0xffff  }
0x7b: {  	v16 =	vmul.f32 v21, v19;
	v21 =	vld.idx.msk [tilespmem:v27+s3+$0x0], $0xffff  }
0x7c: {  	v12 =	vadd.f32 v12, v17;
	v14 =	vadd.f32 v15, v14;
	v15 =	vmul.f32 v13, v19;
	v13 =	vld.idx.msk [tilespmem:v23+s3+$0x0], $0xffff  }
.Ltmp8:
0x7d: {  	v17 =	vmul.f32 v24, v20;
	v18 =	vld.idx.msk [tilespmem:v28+s3+$0x0], $0xffff;
	(pc) =	sbr.rel @p2 .LBB2_7-.Ltmp8, $4  }
0x7e: {  	s30 =	sshra.s32 s31, $0x2;
	v16 =	vadd.f32 v16, v12;
	v15 =	vadd.f32 v15, v14;
	v23 =	vmul.f32 v11, v20;
	v14 =	vld.idx.msk [tilespmem:v25+s3+$0x0], $0xffff  }
0x7f: {  	v19 =	vmul.f32 v26, v22;
	v11 =	vld [tilespmem:s30+$0x7ED0]  }
0x80: {  	v20 =	vadd.f32 v17, v16;
	v16 =	vadd.f32 v23, v15;
	v17 =	vmul.f32 v29, v22;
	v12 =	vld [tilespmem:s30+$0x7EC0]  }
0x81: {  	s31 =	sadd.s32 $0x180, s31;
	v21 =	vmul.f32 v21, v9;
	v15 =	vld [tilespmem:s30+$0x8400]  }
0x82: {  	_ = 	snop  }
0x83: {  	v22 =	vld [tilespmem:s30+$0x8410];
	_ =	sdelay $0x1  }
0x84: {  	v23 =	vld [tilespmem:s30+$0x8420]  }
0x85: {  	v26 =	vld [tilespmem:s30+$0x8430];
	v25 =	vadd.s32 v10, v15  }
0x86: {  	v27 =	vld [tilespmem:s30+$0x7E80]  }
0x87: {  	v29 =	vld [tilespmem:s30+$0x8440];
	v28 =	vadd.s32 v10, v22  }
0x88: {  	v31 =	vld [tilespmem:s30+$0x8450]  }
0x89: {  	v19 =	vadd.f32 v19, v20;
	v61 =	vld [tilespmem:s30+$0x7E90];
	v30 =	vadd.s32 v10, v23  }
0x8a: {  	v25 =	vld.idx.msk [tilespmem:v25+s3+$0x0], $0xffff  }
0x8b: {  	v19 =	vadd.f32 v21, v19;
	v21 =	vld [tilespmem:$0xC700];
	v32 =	vadd.s32 v10, v26  }
0x8c: {  	v28 =	vld.idx.msk [tilespmem:v28+s3+$0x0], $0xffff  }
0x8d: {  	v24 =	vld [tilespmem:s30+$0x7EA0];
	v18 =	vmul.f32 v18, v7;
	v33 =	vadd.s32 v10, v29  }
0x8e: {  	v30 =	vld.idx.msk [tilespmem:v30+s3+$0x0], $0xffff  }
0x8f: {  	v62 =	vld [tilespmem:s30+$0x7EB0];
	v18 =	vadd.f32 v18, v19;
	v63 =	vadd.s32 v10, v31;
	v25 =	vmul.f32 v25, v27  }
0x90: {  	v32 =	vld.idx.msk [tilespmem:v32+s3+$0x0], $0xffff  }
0x91: {  	v36 =	vmul.f32 v21, v21;
	v28 =	vmul.f32 v28, v61;
	v18 =	vadd.f32 v25, v18  }
0x92: {  	v37 =	vld.idx.msk [tilespmem:v33+s3+$0x0], $0xffff  }
0x93: {  	v38 =	vld [tilespmem:$0xC710];
	v30 =	vmul.f32 v30, v24;
	v25 =	vmul.f32 v36, v21;
	v18 =	vadd.f32 v28, v18  }
0x94: {  	v10 =	vld.idx.msk [tilespmem:v63+s3+$0x0], $0xffff  }
0x95: {  	v39 =	vld [tilespmem:s10+$0xC5E0];
	v32 =	vmul.f32 v32, v62;
	v25 =	vmul.f32 v25, v0;
	v18 =	vadd.f32 v30, v18;
	_ =	sdelay $0x1  }
0x96: {  	v28 =	vmul.f32 v37, v12;
	v25 =	vsub.f32 v21, v25;
	v18 =	vadd.f32 v32, v18  }
0x97: {  	v40 =	vadd.s32 v8, v15  }
0x98: {  	v10 =	vmul.f32 v10, v11;
	v25 =	vadd.f32 v25, v38;
	v18 =	vadd.f32 v28, v18  }
0x99: {  	(erf) = vrcp.f32 v39  }
0x9a: {  	v22 =	vadd.s32 v8, v22;
	v41 =	vmul.f32 v25, v39;
	v10 =	vadd.f32 v10, v18  }
0x9b: {  	v42 =	vld [tilespmem:s10+$0xC580]  }
0x9c: {  	v44 =	vld.idx.msk [tilespmem:v5+s26+$0x8980 ss:$0x1], $0xffff;
	v23 =	vadd.s32 v8, v23;
	v10 =	vadd.f32 v41, v10  }
0x9d: {  	v16 =	vadd.f32 v17, v16;
	v9 =	vmul.f32 v13, v9;
	v15 =	vld.idx.msk [tilespmem:v40+s3+$0x0], $0xffff  }
0x9e: {  	v43 =	vadd.s32 v8, v26;
	v45 =	vmul.f32 $1.000000010e-01, v10  }
0x9f: {  	v7 =	vmul.f32 v14, v7;
	v9 =	vadd.f32 v9, v16;
	v22 =	vld.idx.msk [tilespmem:v22+s3+$0x0], $0xffff  }
0xa0: {  	v46 =	vadd.s32 v8, v29;
	v48 =	vadd.f32 v45, v21  }
0xa1: {  	v7 =	vadd.f32 v7, v9;
	v50 =	vsub.f32 v42, v21;
	v47 =	vld.idx.msk [tilespmem:v23+s3+$0x0], $0xffff  }
0xa2: {  	v8 =	vadd.s32 v8, v31;
	v49 =	vmul.f32 v15, v27;
	v52 =	vpop (erf);
	v23 =	vadd.f32 v48, v44  }
0xa3: {  	v13 =	vld.idx.msk [tilespmem:v43+s3+$0x0], $0xffff;
	v15 =	vmul.f32 v52, v50  }
0xa4: {  	v55 =	vld.idx.msk [tilespmem:v5+s26+$0xA780 ss:$0x1], $0xffff;
	v51 =	vmul.f32 v22, v61;
	v7 =	vadd.f32 v49, v7;
	v53 =	vmul.f32 v23, v23  }
0xa5: {  	v14 =	vld.idx.msk [tilespmem:v46+s3+$0x0], $0xffff;
	v56 =	vmul.f32 $1.000000010e-01, v15  }
0xa6: {  	v54 =	vmul.f32 v47, v24;
	v7 =	vadd.f32 v51, v7;
	v22 =	vmul.f32 v53, v23  }
0xa7: {  	v8 =	vld.idx.msk [tilespmem:v8+s3+$0x0], $0xffff;
	v58 =	vadd.f32 v56, v38  }
0xa8: {  	v57 =	vmul.f32 v13, v62;
	v7 =	vadd.f32 v54, v7;
	v59 =	vmul.f32 v22, v0  }
0xa9: {  	v61 =	vadd.f32 v58, v55  }
0xaa: {  	v60 =	vmul.f32 v14, v12;
	v7 =	vadd.f32 v57, v7;
	v62 =	vsub.f32 v23, v59;
	_ =	sdelay $0x1  }
0xab: {  	v8 =	vmul.f32 v8, v11;
	v7 =	vadd.f32 v60, v7;
	v63 =	vadd.f32 v62, v61;
	_ =	sdelay $0x1  }
0xac: {  	v7 =	vadd.f32 v8, v7;
	v8 =	vmul.f32 v63, v39;
	_ =	sdelay $0x1  }
0xad: {  	v7 =	vadd.f32 v8, v7;
	v8 =	vsub.f32 v42, v23;
	_ =	sdelay $0x1  }
0xae: {  	v7 =	vadd.f32 v7, v10;
	v8 =	vmul.f32 v8, v52;
	_ =	sdelay $0x1  }
0xaf: {  	v7 =	vmul.f32 $5.000000070e-02, v7;
	v8 =	vadd.f32 v8, v15;
	_ =	sdelay $0x1  }
0xb0: {  	v7 =	vadd.f32 v7, v21;
	v8 =	vmul.f32 $5.000000070e-02, v8;
	_ =	sdelay $0x1  }
0xb1: {  	v7 =	vadd.f32 v7, v44;
	v8 =	vadd.f32 v8, v38  }
0xb2: {  	s31 =	sadd.s32 s29, s2  }
0xb3: {  	s29 =	sadd.s32 s10, s31;
	[tilespmem:$0xC700] =	vst v7;
	v7 =	vadd.f32 v8, v55  }
0xb4: {  	[spmem:s29] =	stream.linear.scatter [tilespmem:s20], [sflag:$0x1], $0x10, $0x38;
	[tilespmem:$0xC810] =	vst v63  }
0xb5: {  	[tilespmem:$0xC710] =	vst v7  }
0xb6: {  	_ =	swait.ge [sflag:s21], $0x10  }
0xb7: {  	s25 =	sadd.s32 $0x1, s25;
	[sflag:s21] =	ssyncset.done $0x0  }
0xb8: {  	p2 =	seq.s32 s25, $0x50;
	[sflag:s21] =	ssyncadd.s32 $0xFFFFFFF0  }
.Ltmp9:
0xb9: {  	[bflag:$0x0] =	sbarrier.arrive $0xFFFF;
	(pc) =	sbr.rel @!p2 .LBB2_5-.Ltmp9, $4  }
0xba: {  	[tilespmem:s28], [sflag:$0x2] =	stream.linear.gather [spmem:s31], $0x60, $0x38;
	[tilespmem:$0xC810] =	vst v63  }
0xbb: {  	_ =	swait.ge [sflag:s15], $0x60  }
0xbc: {  	[sflag:s15] =	ssyncset.done $0x0  }
0xbd: {  	[sflag:s15] =	ssyncadd.s32 $0xFFFFFFA0  }
0xbe: {  	v7 =	vimm.f32 $1.000000000e+00  }
0xbf: {  	v8 =	vand.u32 $0x7FFFFF, v7  }
0xc0: {  	v8 =	vor.u32 $0x3F800000, v8  }
0xc1: {  	v9 =	vmul.f32 $5.000000000e-01, v8  }
0xc2: {  	vm0 =	vgt.f32 v8, $1.414213540e+00  }
0xc3: {  	v8 =	vsel vm0, v9, v8  }
0xc4: {  	v9 =	vadd.f32 $1.000000000e+00, v8;
	_ =	sdelay $0x1  }
0xc5: {  	(erf) = vrcp.f32 v9;
	_ =	sdelay $0x7  }
0xc6: {  	v8 =	vadd.f32 $-1.000000000e+00, v8  }
0xc7: {  	v9 =	vpop (erf)  }
0xc8: {  	v8 =	vmul.f32 v9, v8;
	_ =	sdelay $0x1  }
0xc9: {  	v9 =	vmul.f32 v8, v8;
	_ =	sdelay $0x1  }
0xca: {  	v10 =	vmul.f32 $1.428571490e-01, v9;
	_ =	sdelay $0x1  }
0xcb: {  	v10 =	vadd.f32 $2.000000030e-01, v10;
	_ =	sdelay $0x1  }
0xcc: {  	v11 =	vshrl.u32 v7, $0x17;
	(erf) = vrcp.f32 v7;
	v10 =	vmul.f32 v10, v9  }
0xcd: {  	v11 =	vand.u32 $0xFF, v11  }
0xce: {  	v11 =	vadd.s32 $0xFFFFFF81, v11;
	v10 =	vadd.f32 $3.333333430e-01, v10  }
0xcf: {  	v11 =	vcvt.s32.f32 v11  }
0xd0: {  	v9 =	vmul.f32 v10, v9;
	v10 =	vsel vm0, $0x3F800000, v2  }
0xd1: {  	v10 =	vadd.f32 v11, v10  }
0xd2: {  	v8 =	vadd.f32 v8, v8;
	v9 =	vadd.f32 $1.000000000e+00, v9;
	_ =	sdelay $0x1  }
0xd3: {  	v8 =	vmul.f32 v9, v8;
	v9 =	vmul.f32 $6.931471820e-01, v10  }
0xd4: {  	v10 =	vpop (erf)  }
0xd5: {  	v8 =	vadd.f32 v8, v9;
	v9 =	vmul.f32 $-5.108256340e-01, v10;
	_ =	sdelay $0x1  }
0xd6: {  	v8 =	vmul.f32 $3.125000000e+00, v8;
	v9 =	vmul.f32 $1.442695020e+00, v9;
	_ =	sdelay $0x1  }
0xd7: {  	v8 =	vmul.f32 $1.442695020e+00, v8;
	(erf) = vpow2.f32 v9  }
0xd8: {  	(erf) = vrcp.f32 v7  }
0xd9: {  	(erf) = vpow2.f32 v8;
	_ =	sdelay $0x6  }
0xda: {  	v8 =	vpop (erf)  }
0xdb: {  	v9 =	vpop (erf)  }
0xdc: {  	v10 =	vpop (erf)  }
0xdd: {  	v11 =	vsub.f32 v7, v10;
	_ =	sdelay $0x1  }
0xde: {  	v11 =	vmul.f32 v11, v1;
	_ =	sdelay $0x1  }
0xdf: {  	v12 =	vmul.f32 $9.999999740e-06, v11;
	_ =	sdelay $0x1  }
0xe0: {  	v12 =	vadd.f32 v12, v7;
	_ =	sdelay $0x1  }
0xe1: {  	v13 =	vand.u32 $0x7FFFFF, v12  }
0xe2: {  	v13 =	vor.u32 $0x3F800000, v13  }
0xe3: {  	v14 =	vmul.f32 $5.000000000e-01, v13  }
0xe4: {  	vm15 =	vgt.f32 v13, $1.414213540e+00  }
0xe5: {  	v13 =	vsel vm15, v14, v13  }
0xe6: {  	v14 =	vadd.f32 $1.000000000e+00, v13;
	_ =	sdelay $0x1  }
0xe7: {  	(erf) = vrcp.f32 v14;
	_ =	sdelay $0x7  }
0xe8: {  	v13 =	vadd.f32 $-1.000000000e+00, v13  }
0xe9: {  	v14 =	vpop (erf)  }
0xea: {  	v13 =	vmul.f32 v14, v13;
	_ =	sdelay $0x1  }
0xeb: {  	v14 =	vmul.f32 v13, v13;
	_ =	sdelay $0x1  }
0xec: {  	v15 =	vmul.f32 $9.999999740e-06, v7;
	v16 =	vmul.f32 $1.428571490e-01, v14;
	_ =	sdelay $0x1  }
0xed: {  	v15 =	vadd.f32 v15, v7;
	v16 =	vadd.f32 $2.000000030e-01, v16;
	_ =	sdelay $0x1  }
0xee: {  	(erf) = vrcp.f32 v15;
	v16 =	vmul.f32 v16, v14  }
0xef: {  	v17 =	vshrl.u32 v12, $0x17  }
0xf0: {  	v17 =	vand.u32 $0xFF, v17;
	v16 =	vadd.f32 $3.333333430e-01, v16  }
0xf1: {  	v17 =	vadd.s32 $0xFFFFFF81, v17  }
0xf2: {  	v17 =	vcvt.s32.f32 v17;
	v14 =	vmul.f32 v16, v14  }
0xf3: {  	v18 =	vsel vm15, $0x3F800000, v2;
	v13 =	vadd.f32 v13, v13  }
0xf4: {  	v16 =	vadd.f32 v17, v18;
	v14 =	vadd.f32 $1.000000000e+00, v14;
	_ =	sdelay $0x1  }
0xf5: {  	s25 =	simm.s32 $0x0;
	v13 =	vmul.f32 v14, v13;
	v14 =	vmul.f32 $6.931471820e-01, v16  }
0xf6: {  	v17 =	vpop (erf);
	v16 =	vld.idx.msk [tilespmem:v4+s25+$0x0 ss:$0x1], $0xffff  }
0xf7: {  	v13 =	vadd.f32 v13, v14;
	v14 =	vmul.f32 $-5.108256340e-01, v17  }
0xf8: {  	v18 =	vmul.f32 $6.499999760e-01, v7;
	v17 =	vadd.f32 $-1.000000000e+00, v7  }
0xf9: {  	v13 =	vmul.f32 $3.125000000e+00, v13;
	v14 =	vmul.f32 $1.442695020e+00, v14  }
0xfa: {  	v8 =	vsub.f32 $1.000000000e+00, v8;
	v9 =	vmul.f32 v10, v9;
	v17 =	vmul.f32 $4.099999960e-01, v17  }
0xfb: {  	v18 =	vsub.f32 v16, v18;
	v13 =	vmul.f32 $1.442695020e+00, v13;
	(erf) = vpow2.f32 v14  }
0xfc: {  	v8 =	vmul.f32 v8, v7;
	(erf) = vrcp.f32 v12  }
0xfd: {  	v12 =	vsub.f32 v18, v17;
	(erf) = vpow2.f32 v13  }
0xfe: {  	v9 =	vmul.f32 v9, v7;
	v8 =	vmul.f32 v8, v3  }
0xff: {  	v10 =	vmul.f32 $9.999999740e-06, v12  }
0x100: {  	v8 =	vsub.f32 v8, v9  }
0x101: {  	v10 =	vadd.f32 v10, v7;
	_ =	sdelay $0x1  }
0x102: {  	v13 =	vadd.f32 $-1.000000000e+00, v15;
	v9 =	vmul.f32 $6.499999760e-01, v10  }
0x103: {  	v17 =	vmul.f32 v8, v1;
	v8 =	vpop (erf)  }
0x104: {  	v13 =	vmul.f32 $4.099999960e-01, v13;
	v9 =	vsub.f32 v16, v9;
	v14 =	vpop (erf)  }
0x105: {  	v16 =	vmul.f32 $9.999999740e-06, v17;
	v8 =	vsub.f32 $1.000000000e+00, v8;
	v18 =	vpop (erf)  }
0x106: {  	v9 =	vsub.f32 v9, v13;
	v13 =	vsub.f32 v15, v18  }
0x107: {  	v16 =	vadd.f32 v16, v7;
	v14 =	vmul.f32 v18, v14;
	v8 =	vmul.f32 v8, v15  }
0x108: {  	v9 =	vadd.f32 v9, v12;
	v12 =	vmul.f32 v13, v1  }
0x109: {  	v10 =	vadd.f32 v10, v7;
	v13 =	vmul.f32 v14, v16;
	v8 =	vmul.f32 v8, v3  }
0x10a: {  	s31 =	simm.s32 $0x60;
	v14 =	vmul.f32 $4.999999870e-06, v9;
	v11 =	vadd.f32 v12, v11  }
0x10b: {  	v10 =	vmul.f32 $4.999999870e-06, v10;
	v9 =	vld.idx.msk [tilespmem:v4+s31+$0x0 ss:$0x1], $0xffff;
	v12 =	vsub.f32 v8, v13  }
0x10c: {  	v8 =	vadd.f32 v14, v7;
	v11 =	vmul.f32 $4.999999870e-06, v11  }
0x10d: {  	v10 =	vadd.f32 v10, v7;
	v13 =	vmul.f32 v12, v1  }
0x10e: {  	v15 =	vmul.f32 $6.499999760e-01, v8;
	v11 =	vadd.f32 v11, v7  }
0x10f: {  	v12 =	vadd.f32 $-1.000000000e+00, v10;
	v14 =	vmul.f32 $9.999999740e-06, v8;
	v18 =	vadd.f32 v13, v17  }
0x110: {  	v13 =	vsub.f32 v9, v15;
	v15 =	vshrl.u32 v11, $0x17;
	v17 =	vand.u32 $0x7FFFFF, v11  }
0x111: {  	s25 =	simm.s32 $0x300;
	v16 =	vand.u32 $0xFF, v15;
	v17 =	vor.u32 $0x3F800000, v17;
	v15 =	vmul.f32 $4.999999870e-06, v18  }
.LBB2_10:
0x112: {  	p2 =	sne.s32 s25, $0x3A80;
	v18 =	vmul.f32 $5.000000000e-01, v17;
	s26 =	smov.u32 s25;
	s25 =	sadd.s32 $0x180, s25  }
0x113: {  	vm0 =	vgt.f32 v17, $1.414213540e+00;
	v7 =	vadd.f32 v15, v7  }
0x114: {  	v15 =	vsel vm0, v18, v17  }
0x115: {  	v17 =	vadd.f32 $1.000000000e+00, v15;
	_ =	sdelay $0x1  }
0x116: {  	(erf) = vrcp.f32 v17;
	_ =	sdelay $0x7  }
0x117: {  	v15 =	vadd.f32 $-1.000000000e+00, v15  }
0x118: {  	v17 =	vpop (erf)  }
0x119: {  	v15 =	vmul.f32 v17, v15;
	_ =	sdelay $0x1  }
0x11a: {  	v17 =	vmul.f32 v15, v15;
	_ =	sdelay $0x1  }
0x11b: {  	v18 =	vmul.f32 $1.428571490e-01, v17;
	_ =	sdelay $0x1  }
0x11c: {  	v18 =	vadd.f32 $2.000000030e-01, v18;
	_ =	sdelay $0x1  }
0x11d: {  	v18 =	vmul.f32 v18, v17;
	(erf) = vrcp.f32 v10;
	_ =	sdelay $0x1  }
0x11e: {  	v18 =	vadd.f32 $3.333333430e-01, v18  }
0x11f: {  	v16 =	vadd.s32 $0xFFFFFF81, v16  }
0x120: {  	v16 =	vcvt.s32.f32 v16;
	v17 =	vmul.f32 v18, v17  }
0x121: {  	v15 =	vadd.f32 v15, v15;
	v18 =	vsel vm0, $0x3F800000, v2  }
0x122: {  	v16 =	vadd.f32 v16, v18;
	v18 =	vadd.f32 $1.000000000e+00, v17;
	_ =	sdelay $0x1  }
0x123: {  	v16 =	vmul.f32 $6.931471820e-01, v16;
	v15 =	vmul.f32 v18, v15  }
0x124: {  	v17 =	vpop (erf)  }
0x125: {  	v15 =	vadd.f32 v15, v16;
	v16 =	vmul.f32 $-5.108256340e-01, v17;
	_ =	sdelay $0x1  }
0x126: {  	v15 =	vmul.f32 $3.125000000e+00, v15;
	v16 =	vmul.f32 $1.442695020e+00, v16;
	_ =	sdelay $0x1  }
0x127: {  	v15 =	vmul.f32 $1.442695020e+00, v15;
	(erf) = vpow2.f32 v16  }
0x128: {  	(erf) = vrcp.f32 v11  }
0x129: {  	(erf) = vpow2.f32 v15;
	_ =	sdelay $0x6  }
0x12a: {  	v15 =	vpop (erf)  }
0x12b: {  	v15 =	vsub.f32 $1.000000000e+00, v15;
	v16 =	vpop (erf)  }
0x12c: {  	v17 =	vpop (erf)  }
0x12d: {  	v16 =	vmul.f32 v17, v16;
	v17 =	vsub.f32 v10, v17;
	v18 =	vmul.f32 v15, v10;
	_ =	sdelay $0x1  }
0x12e: {  	v15 =	vmul.f32 v17, v1;
	v16 =	vmul.f32 v16, v7  }
0x12f: {  	v17 =	vmul.f32 v18, v3  }
0x130: {  	v18 =	vmul.f32 $9.999999740e-06, v15  }
0x131: {  	v16 =	vsub.f32 v17, v16  }
0x132: {  	v17 =	vadd.f32 v18, v11;
	_ =	sdelay $0x1  }
0x133: {  	v18 =	vshrl.u32 v17, $0x17;
	v19 =	vand.u32 $0x7FFFFF, v17  }
0x134: {  	v18 =	vand.u32 $0xFF, v18;
	v19 =	vor.u32 $0x3F800000, v19  }
0x135: {  	v20 =	vmul.f32 $5.000000000e-01, v19;
	v18 =	vadd.s32 $0xFFFFFF81, v18  }
0x136: {  	vm0 =	vgt.f32 v19, $1.414213540e+00;
	v18 =	vcvt.s32.f32 v18  }
0x137: {  	v19 =	vsel vm0, v20, v19;
	v20 =	vsel vm0, $0x3F800000, v2  }
0x138: {  	v18 =	vadd.f32 v18, v20;
	v20 =	vadd.f32 $1.000000000e+00, v19;
	_ =	sdelay $0x1  }
0x139: {  	(erf) = vrcp.f32 v20;
	_ =	sdelay $0x7  }
0x13a: {  	v19 =	vadd.f32 $-1.000000000e+00, v19  }
0x13b: {  	v20 =	vpop (erf)  }
0x13c: {  	v12 =	vmul.f32 $4.099999960e-01, v12;
	v19 =	vmul.f32 v20, v19;
	_ =	sdelay $0x1  }
0x13d: {  	v13 =	vsub.f32 v13, v12;
	v12 =	vmul.f32 v19, v19;
	_ =	sdelay $0x1  }
0x13e: {  	v20 =	vmul.f32 $9.999999740e-06, v13;
	v21 =	vmul.f32 $1.428571490e-01, v12  }
0x13f: {  	v22 =	vadd.f32 v14, v10  }
0x140: {  	v14 =	vadd.f32 v20, v8;
	v20 =	vadd.f32 $2.000000030e-01, v21  }
0x141: {  	(erf) = vrcp.f32 v22  }
0x142: {  	v23 =	vadd.f32 $-1.000000000e+00, v22;
	v21 =	vmul.f32 $6.499999760e-01, v14;
	v20 =	vmul.f32 v20, v12  }
0x143: {  	v14 =	vadd.f32 v14, v8  }
0x144: {  	v9 =	vsub.f32 v9, v21;
	v21 =	vmul.f32 $4.099999960e-01, v23;
	v20 =	vadd.f32 $3.333333430e-01, v20  }
0x145: {  	v14 =	vmul.f32 $4.999999870e-06, v14  }
0x146: {  	v9 =	vsub.f32 v9, v21;
	v12 =	vmul.f32 v20, v12  }
0x147: {  	v10 =	vadd.f32 v14, v10  }
0x148: {  	v14 =	vadd.f32 v19, v19;
	v20 =	vadd.f32 $1.000000000e+00, v12  }
0x149: {  	v13 =	vadd.f32 v9, v13;
	v12 =	vadd.f32 $-1.000000000e+00, v10  }
0x14a: {  	s26 =	sshra.s32 s26, $0x2;
	v18 =	vmul.f32 $6.931471820e-01, v18;
	v14 =	vmul.f32 v20, v14;
	v19 =	vpop (erf)  }
0x14b: {  	v13 =	vmul.f32 $4.999999870e-06, v13;
	v9 =	vld.idx.msk [tilespmem:v4+s26+$0x0 ss:$0x1], $0xffff  }
0x14c: {  	v14 =	vadd.f32 v14, v18;
	v18 =	vmul.f32 $-5.108256340e-01, v19  }
0x14d: {  	v8 =	vadd.f32 v13, v8  }
0x14e: {  	v13 =	vmul.f32 $3.125000000e+00, v14;
	v18 =	vmul.f32 $1.442695020e+00, v18  }
0x14f: {  	v19 =	vmul.f32 $6.499999760e-01, v8;
	v14 =	vmul.f32 $9.999999740e-06, v8  }
0x150: {  	v20 =	vmul.f32 $1.442695020e+00, v13;
	(erf) = vpow2.f32 v18  }
0x151: {  	v13 =	vsub.f32 v9, v19;
	(erf) = vrcp.f32 v17  }
0x152: {  	(erf) = vpow2.f32 v20;
	_ =	sdelay $0x5  }
0x153: {  	v16 =	vmul.f32 v16, v1  }
0x154: {  	v17 =	vpop (erf)  }
0x155: {  	v18 =	vmul.f32 $9.999999740e-06, v16;
	v17 =	vsub.f32 $1.000000000e+00, v17;
	v19 =	vpop (erf)  }
0x156: {  	v20 =	vpop (erf)  }
0x157: {  	v18 =	vadd.f32 v18, v7;
	v19 =	vmul.f32 v20, v19;
	v20 =	vsub.f32 v22, v20  }
0x158: {  	v17 =	vmul.f32 v17, v22  }
0x159: {  	v20 =	vmul.f32 v20, v1;
	v18 =	vmul.f32 v19, v18  }
0x15a: {  	v17 =	vmul.f32 v17, v3  }
0x15b: {  	v15 =	vadd.f32 v20, v15  }
0x15c: {  	v17 =	vsub.f32 v17, v18  }
0x15d: {  	v15 =	vmul.f32 $4.999999870e-06, v15  }
.Ltmp10:
0x15e: {  	v17 =	vmul.f32 v17, v1;
	(pc) =	sbr.rel @p2 .LBB2_10-.Ltmp10, $4  }
0x15f: {  	v11 =	vadd.f32 v15, v11  }
0x160: {  	v15 =	vadd.f32 v17, v16  }
0x161: {  	v16 =	vshrl.u32 v11, $0x17;
	v17 =	vand.u32 $0x7FFFFF, v11  }
0x162: {  	v15 =	vmul.f32 $4.999999870e-06, v15;
	v16 =	vand.u32 $0xFF, v16;
	v17 =	vor.u32 $0x3F800000, v17  }
0x163: {  	v18 =	vmul.f32 $5.000000000e-01, v17  }
0x164: {  	vm0 =	vgt.f32 v17, $1.414213540e+00  }
0x165: {  	v17 =	vsel vm0, v18, v17  }
0x166: {  	v18 =	vadd.f32 $1.000000000e+00, v17;
	_ =	sdelay $0x1  }
0x167: {  	(erf) = vrcp.f32 v18;
	_ =	sdelay $0x7  }
0x168: {  	v17 =	vadd.f32 $-1.000000000e+00, v17  }
0x169: {  	v18 =	vpop (erf)  }
0x16a: {  	v17 =	vmul.f32 v18, v17;
	_ =	sdelay $0x1  }
0x16b: {  	v18 =	vmul.f32 v17, v17;
	_ =	sdelay $0x1  }
0x16c: {  	v19 =	vmul.f32 $1.428571490e-01, v18;
	_ =	sdelay $0x1  }
0x16d: {  	v19 =	vadd.f32 $2.000000030e-01, v19;
	_ =	sdelay $0x1  }
0x16e: {  	v19 =	vmul.f32 v19, v18  }
0x16f: {  	(erf) = vrcp.f32 v10  }
0x170: {  	v19 =	vadd.f32 $3.333333430e-01, v19;
	_ =	sdelay $0x1  }
0x171: {  	v16 =	vadd.s32 $0xFFFFFF81, v16;
	v18 =	vmul.f32 v19, v18  }
0x172: {  	v16 =	vcvt.s32.f32 v16  }
0x173: {  	v19 =	vsel vm0, $0x3F800000, v2;
	v18 =	vadd.f32 $1.000000000e+00, v18  }
0x174: {  	v17 =	vadd.f32 v17, v17;
	v16 =	vadd.f32 v16, v19;
	_ =	sdelay $0x1  }
0x175: {  	v16 =	vmul.f32 $6.931471820e-01, v16;
	v17 =	vmul.f32 v18, v17  }
0x176: {  	v18 =	vpop (erf)  }
0x177: {  	v16 =	vadd.f32 v17, v16;
	v17 =	vmul.f32 $-5.108256340e-01, v18;
	_ =	sdelay $0x1  }
0x178: {  	v16 =	vmul.f32 $3.125000000e+00, v16;
	v17 =	vmul.f32 $1.442695020e+00, v17;
	_ =	sdelay $0x1  }
0x179: {  	v16 =	vmul.f32 $1.442695020e+00, v16;
	(erf) = vpow2.f32 v17  }
0x17a: {  	(erf) = vrcp.f32 v11  }
0x17b: {  	(erf) = vpow2.f32 v16;
	_ =	sdelay $0x6  }
0x17c: {  	v16 =	vpop (erf)  }
0x17d: {  	v17 =	vpop (erf)  }
0x17e: {  	v18 =	vpop (erf)  }
0x17f: {  	v19 =	vsub.f32 v10, v18;
	_ =	sdelay $0x1  }
0x180: {  	v19 =	vmul.f32 v19, v1;
	_ =	sdelay $0x1  }
0x181: {  	v20 =	vmul.f32 $9.999999740e-06, v19;
	_ =	sdelay $0x1  }
0x182: {  	v20 =	vadd.f32 v20, v11;
	_ =	sdelay $0x1  }
0x183: {  	v21 =	vand.u32 $0x7FFFFF, v20  }
0x184: {  	v21 =	vor.u32 $0x3F800000, v21  }
0x185: {  	v22 =	vmul.f32 $5.000000000e-01, v21  }
0x186: {  	vm13 =	vgt.f32 v21, $1.414213540e+00  }
0x187: {  	v21 =	vsel vm13, v22, v21  }
0x188: {  	v22 =	vadd.f32 $1.000000000e+00, v21;
	_ =	sdelay $0x1  }
0x189: {  	(erf) = vrcp.f32 v22;
	_ =	sdelay $0x7  }
0x18a: {  	v21 =	vadd.f32 $-1.000000000e+00, v21  }
0x18b: {  	v22 =	vpop (erf)  }
0x18c: {  	v21 =	vmul.f32 v22, v21;
	_ =	sdelay $0x1  }
0x18d: {  	v22 =	vmul.f32 v21, v21;
	_ =	sdelay $0x1  }
0x18e: {  	v23 =	vmul.f32 $1.428571490e-01, v22;
	_ =	sdelay $0x1  }
0x18f: {  	v14 =	vadd.f32 v14, v10;
	v23 =	vadd.f32 $2.000000030e-01, v23;
	_ =	sdelay $0x1  }
0x190: {  	v24 =	vshrl.u32 v20, $0x17;
	(erf) = vrcp.f32 v14;
	v23 =	vmul.f32 v23, v22  }
0x191: {  	v24 =	vand.u32 $0xFF, v24  }
0x192: {  	v24 =	vadd.s32 $0xFFFFFF81, v24;
	v23 =	vadd.f32 $3.333333430e-01, v23  }
0x193: {  	v24 =	vcvt.s32.f32 v24  }
0x194: {  	v25 =	vsel vm13, $0x3F800000, v2;
	v22 =	vmul.f32 v23, v22  }
0x195: {  	v42 =	vadd.f32 v24, v25  }
0x196: {  	v21 =	vadd.f32 v21, v21;
	v22 =	vadd.f32 $1.000000000e+00, v22;
	_ =	sdelay $0x1  }
0x197: {  	v43 =	vmul.f32 $6.931471820e-01, v42;
	v21 =	vmul.f32 v22, v21  }
0x198: {  	v44 =	vpop (erf)  }
0x199: {  	v45 =	vmul.f32 $-5.108256340e-01, v44;
	v21 =	vadd.f32 v21, v43;
	_ =	sdelay $0x1  }
0x19a: {  	v22 =	vmul.f32 $1.442695020e+00, v45;
	v21 =	vmul.f32 $3.125000000e+00, v21;
	_ =	sdelay $0x1  }
0x19b: {  	(erf) = vpow2.f32 v22;
	v21 =	vmul.f32 $1.442695020e+00, v21  }
0x19c: {  	(erf) = vrcp.f32 v20  }
0x19d: {  	(erf) = vpow2.f32 v21;
	_ =	sdelay $0x6  }
0x19e: {  	v46 =	vpop (erf)  }
0x19f: {  	v47 =	vpop (erf)  }
0x1a0: {  	v48 =	vpop (erf)  }
0x1a1: {  	v49 =	vsub.f32 v14, v48;
	_ =	sdelay $0x1  }
0x1a2: {  	v23 =	vmul.f32 v49, v1;
	_ =	sdelay $0x1  }
0x1a3: {  	v19 =	vadd.f32 v23, v19;
	_ =	sdelay $0x1  }
0x1a4: {  	v19 =	vmul.f32 $4.999999870e-06, v19;
	_ =	sdelay $0x1  }
0x1a5: {  	v11 =	vadd.f32 v19, v11;
	_ =	sdelay $0x1  }
0x1a6: {  	v19 =	vand.u32 $0x7FFFFF, v11  }
0x1a7: {  	v19 =	vor.u32 $0x3F800000, v19  }
0x1a8: {  	v50 =	vmul.f32 $5.000000000e-01, v19  }
0x1a9: {  	vm14 =	vgt.f32 v19, $1.414213540e+00  }
0x1aa: {  	v19 =	vsel vm14, v50, v19  }
0x1ab: {  	v23 =	vadd.f32 $1.000000000e+00, v19  }
0x1ac: {  	(erf) = vrcp.f32 v11  }
0x1ad: {  	(erf) = vrcp.f32 v23;
	_ =	sdelay $0x3  }
0x1ae: {  	v12 =	vmul.f32 $4.099999960e-01, v12;
	_ =	sdelay $0x1  }
0x1af: {  	v12 =	vsub.f32 v13, v12;
	_ =	sdelay $0x1  }
0x1b0: {  	v13 =	vmul.f32 $9.999999740e-06, v12;
	v19 =	vadd.f32 $-1.000000000e+00, v19;
	v51 =	vpop (erf)  }
0x1b1: {  	v52 =	vpop (erf)  }
0x1b2: {  	v53 =	vadd.f32 v13, v8;
	v19 =	vmul.f32 v52, v19;
	_ =	sdelay $0x1  }
0x1b3: {  	v13 =	vadd.f32 v53, v8;
	v24 =	vmul.f32 v19, v19;
	_ =	sdelay $0x1  }
0x1b4: {  	v13 =	vmul.f32 $4.999999870e-06, v13;
	v26 =	vmul.f32 $1.428571490e-01, v24;
	_ =	sdelay $0x1  }
0x1b5: {  	v13 =	vadd.f32 v13, v10;
	v26 =	vadd.f32 $2.000000030e-01, v26;
	_ =	sdelay $0x1  }
0x1b6: {  	(erf) = vrcp.f32 v13;
	v26 =	vmul.f32 v26, v24  }
0x1b7: {  	v27 =	vshrl.u32 v11, $0x17  }
0x1b8: {  	v27 =	vand.u32 $0xFF, v27;
	v26 =	vadd.f32 $3.333333430e-01, v26  }
0x1b9: {  	v27 =	vadd.s32 $0xFFFFFF81, v27  }
0x1ba: {  	v27 =	vcvt.s32.f32 v27;
	v24 =	vmul.f32 v26, v24  }
0x1bb: {  	v54 =	vsel vm14, $0x3F800000, v2;
	v19 =	vadd.f32 v19, v19  }
0x1bc: {  	v26 =	vadd.f32 v27, v54;
	v24 =	vadd.f32 $1.000000000e+00, v24;
	_ =	sdelay $0x1  }
0x1bd: {  	v55 =	vmul.f32 $6.931471820e-01, v26;
	v19 =	vmul.f32 v24, v19  }
0x1be: {  	v56 =	vpop (erf)  }
0x1bf: {  	v57 =	vmul.f32 $-5.108256340e-01, v56;
	v19 =	vadd.f32 v19, v55;
	_ =	sdelay $0x1  }
0x1c0: {  	v24 =	vmul.f32 $1.442695020e+00, v57;
	v19 =	vmul.f32 $3.125000000e+00, v19;
	_ =	sdelay $0x1  }
0x1c1: {  	(erf) = vpow2.f32 v24;
	v19 =	vmul.f32 $1.442695020e+00, v19  }
0x1c2: {  	(erf) = vrcp.f32 v11  }
0x1c3: {  	(erf) = vpow2.f32 v19;
	_ =	sdelay $0x6  }
0x1c4: {  	v19 =	vpop (erf)  }
0x1c5: {  	v58 =	vpop (erf)  }
0x1c6: {  	v59 =	vpop (erf)  }
0x1c7: {  	v60 =	vsub.f32 v13, v59;
	_ =	sdelay $0x1  }
0x1c8: {  	v16 =	vsub.f32 $1.000000000e+00, v16;
	v27 =	vmul.f32 v60, v1  }
0x1c9: {  	v17 =	vmul.f32 v18, v17  }
0x1ca: {  	v7 =	vadd.f32 v15, v7;
	v10 =	vmul.f32 v16, v10;
	v15 =	vmul.f32 $9.999999740e-06, v27;
	_ =	sdelay $0x1  }
0x1cb: {  	v16 =	vmul.f32 v17, v7;
	v10 =	vmul.f32 v10, v3;
	v15 =	vadd.f32 v15, v11;
	_ =	sdelay $0x1  }
0x1cc: {  	v10 =	vsub.f32 v10, v16;
	v16 =	vand.u32 $0x7FFFFF, v15  }
0x1cd: {  	v16 =	vor.u32 $0x3F800000, v16  }
0x1ce: {  	v10 =	vmul.f32 v10, v1;
	v17 =	vmul.f32 $5.000000000e-01, v16  }
0x1cf: {  	vm15 =	vgt.f32 v16, $1.414213540e+00  }
0x1d0: {  	v18 =	vmul.f32 $9.999999740e-06, v10;
	v20 =	vsub.f32 $1.000000000e+00, v46;
	v16 =	vsel vm15, v17, v16  }
0x1d1: {  	v17 =	vadd.f32 $1.000000000e+00, v16  }
0x1d2: {  	v18 =	vadd.f32 v18, v7;
	v20 =	vmul.f32 v20, v14;
	v21 =	vmul.f32 v48, v47  }
0x1d3: {  	(erf) = vrcp.f32 v17  }
0x1d4: {  	v17 =	vmul.f32 v21, v18;
	v18 =	vmul.f32 v20, v3  }
0x1d5: {  	v61 =	vmul.f32 $6.499999760e-01, v53;
	v14 =	vadd.f32 $-1.000000000e+00, v14  }
0x1d6: {  	v17 =	vsub.f32 v18, v17  }
0x1d7: {  	v9 =	vsub.f32 v9, v61;
	v14 =	vmul.f32 $4.099999960e-01, v14  }
0x1d8: {  	v17 =	vmul.f32 v17, v1  }
0x1d9: {  	v9 =	vsub.f32 v9, v14  }
0x1da: {  	v10 =	vadd.f32 v17, v10  }
0x1db: {  	v9 =	vadd.f32 v9, v12;
	v12 =	vadd.f32 $-1.000000000e+00, v16  }
0x1dc: {  	v10 =	vmul.f32 $4.999999870e-06, v10;
	v14 =	vpop (erf)  }
0x1dd: {  	v9 =	vmul.f32 $4.999999870e-06, v9;
	v12 =	vmul.f32 v14, v12  }
0x1de: {  	v7 =	vadd.f32 v10, v7  }
0x1df: {  	v8 =	vadd.f32 v9, v8;
	v9 =	vmul.f32 v12, v12  }
0x1e0: {  	v10 =	vmul.f32 v51, v7  }
0x1e1: {  	v14 =	vmul.f32 $9.999999740e-06, v8;
	v16 =	vmul.f32 $1.428571490e-01, v9  }
0x1e2: {  	v17 =	vsub.f32 $1.000000000e+00, v7;
	v10 =	vsub.f32 $1.000000000e+00, v10  }
0x1e3: {  	v14 =	vadd.f32 v14, v13;
	v16 =	vadd.f32 $2.000000030e-01, v16  }
0x1e4: {  	v62 =	vshrl.u32 v15, $0x17;
	v17 =	vmul.f32 $2.799999950e+00, v17;
	v10 =	vmul.f32 $8.000000110e-01, v10  }
0x1e5: {  	v18 =	vsub.f32 $1.000000000e+00, v11;
	(erf) = vrcp.f32 v14;
	v16 =	vmul.f32 v16, v9  }
0x1e6: {  	v10 =	vadd.f32 v10, v17;
	v17 =	vand.u32 $0xFF, v62  }
0x1e7: {  	v18 =	vmul.f32 $4.799999890e-01, v18;
	v17 =	vadd.s32 $0xFFFFFF81, v17;
	v16 =	vadd.f32 $3.333333430e-01, v16  }
0x1e8: {  	v17 =	vcvt.s32.f32 v17  }
0x1e9: {  	v10 =	vadd.f32 v10, v18;
	v18 =	vsel vm15, $0x3F800000, v2;
	v9 =	vmul.f32 v16, v9  }
0x1ea: {  	v16 =	vadd.f32 v17, v18  }
0x1eb: {  	v12 =	vadd.f32 v12, v12;
	v10 =	vmul.f32 $1.999999960e-02, v10;
	v9 =	vadd.f32 $1.000000000e+00, v9;
	_ =	sdelay $0x1  }
0x1ec: {  	[tilespmem:$0xC780] =	vst v10;
	v10 =	vmul.f32 $6.931471820e-01, v16;
	v9 =	vmul.f32 v9, v12  }
0x1ed: {  	v16 =	vpop (erf)  }
0x1ee: {  	s25 =	simm.s32 $0x0;
	v9 =	vadd.f32 v9, v10;
	v10 =	vmul.f32 $-5.108256340e-01, v16  }
0x1ef: {  	v12 =	vld.idx.msk [tilespmem:v6+s25+$0x0 ss:$0x1], $0xffff  }
0x1f0: {  	v9 =	vmul.f32 $3.125000000e+00, v9;
	v10 =	vmul.f32 $1.442695020e+00, v10  }
0x1f1: {  	v17 =	vmul.f32 $6.499999760e-01, v8  }
0x1f2: {  	v16 =	vadd.f32 $-1.000000000e+00, v13;
	v9 =	vmul.f32 $1.442695020e+00, v9;
	(erf) = vpow2.f32 v10  }
0x1f3: {  	v10 =	vsub.f32 $1.000000000e+00, v19;
	(erf) = vrcp.f32 v15  }
0x1f4: {  	v16 =	vmul.f32 $4.099999960e-01, v16;
	v17 =	vsub.f32 v12, v17;
	(erf) = vpow2.f32 v9  }
0x1f5: {  	v9 =	vmul.f32 v59, v58;
	v10 =	vmul.f32 v10, v13  }
0x1f6: {  	v15 =	vsub.f32 v17, v16  }
0x1f7: {  	v9 =	vmul.f32 v9, v7;
	v10 =	vmul.f32 v10, v3  }
0x1f8: {  	v16 =	vmul.f32 $9.999999740e-06, v15  }
0x1f9: {  	v9 =	vsub.f32 v10, v9  }
0x1fa: {  	v17 =	vadd.f32 $-1.000000000e+00, v14;
	v16 =	vadd.f32 v16, v8;
	_ =	sdelay $0x1  }
0x1fb: {  	v10 =	vmul.f32 $6.499999760e-01, v16  }
0x1fc: {  	v18 =	vmul.f32 v9, v1;
	v9 =	vpop (erf)  }
0x1fd: {  	v10 =	vsub.f32 v12, v10;
	v12 =	vmul.f32 $4.099999960e-01, v17;
	v17 =	vpop (erf)  }
0x1fe: {  	v19 =	vmul.f32 $9.999999740e-06, v18;
	v9 =	vsub.f32 $1.000000000e+00, v9;
	v63 =	vpop (erf)  }
0x1ff: {  	v10 =	vsub.f32 v10, v12;
	v12 =	vsub.f32 v14, v63  }
0x200: {  	v19 =	vadd.f32 v19, v7;
	v17 =	vmul.f32 v63, v17;
	v9 =	vmul.f32 v9, v14  }
0x201: {  	v10 =	vadd.f32 v10, v15;
	v12 =	vmul.f32 v12, v1  }
0x202: {  	v14 =	vadd.f32 v16, v8;
	v15 =	vmul.f32 v17, v19;
	v9 =	vmul.f32 v9, v3  }
0x203: {  	s31 =	simm.s32 $0x60;
	v10 =	vmul.f32 $4.999999870e-06, v10;
	v16 =	vadd.f32 v12, v27  }
0x204: {  	v14 =	vmul.f32 $4.999999870e-06, v14;
	v12 =	vld.idx.msk [tilespmem:v6+s31+$0x0 ss:$0x1], $0xffff;
	v15 =	vsub.f32 v9, v15  }
0x205: {  	v10 =	vadd.f32 v10, v8;
	v8 =	vmul.f32 $4.999999870e-06, v16  }
0x206: {  	v9 =	vadd.f32 v14, v13;
	v14 =	vmul.f32 v15, v1  }
0x207: {  	v15 =	vmul.f32 $6.499999760e-01, v10;
	v8 =	vadd.f32 v8, v11  }
0x208: {  	v13 =	vadd.f32 $-1.000000000e+00, v9;
	v11 =	vmul.f32 $9.999999740e-06, v10;
	v18 =	vadd.f32 v14, v18  }
0x209: {  	v14 =	vsub.f32 v12, v15;
	v15 =	vshrl.u32 v8, $0x17;
	v17 =	vand.u32 $0x7FFFFF, v8  }
0x20a: {  	s25 =	simm.s32 $0x300;
	v16 =	vand.u32 $0xFF, v15;
	v17 =	vor.u32 $0x3F800000, v17;
	v15 =	vmul.f32 $4.999999870e-06, v18  }
.LBB2_12:
0x20b: {  	p2 =	sne.s32 s25, $0x3A80;
	v18 =	vmul.f32 $5.000000000e-01, v17;
	s26 =	smov.u32 s25;
	s25 =	sadd.s32 $0x180, s25  }
0x20c: {  	vm0 =	vgt.f32 v17, $1.414213540e+00;
	v7 =	vadd.f32 v15, v7  }
0x20d: {  	v15 =	vsel vm0, v18, v17  }
0x20e: {  	v17 =	vadd.f32 $1.000000000e+00, v15;
	_ =	sdelay $0x1  }
0x20f: {  	(erf) = vrcp.f32 v17;
	_ =	sdelay $0x7  }
0x210: {  	v15 =	vadd.f32 $-1.000000000e+00, v15  }
0x211: {  	v17 =	vpop (erf)  }
0x212: {  	v15 =	vmul.f32 v17, v15;
	_ =	sdelay $0x1  }
0x213: {  	v17 =	vmul.f32 v15, v15;
	_ =	sdelay $0x1  }
0x214: {  	v18 =	vmul.f32 $1.428571490e-01, v17;
	_ =	sdelay $0x1  }
0x215: {  	v18 =	vadd.f32 $2.000000030e-01, v18;
	_ =	sdelay $0x1  }
0x216: {  	v18 =	vmul.f32 v18, v17;
	(erf) = vrcp.f32 v9;
	_ =	sdelay $0x1  }
0x217: {  	v18 =	vadd.f32 $3.333333430e-01, v18  }
0x218: {  	v16 =	vadd.s32 $0xFFFFFF81, v16  }
0x219: {  	v16 =	vcvt.s32.f32 v16;
	v17 =	vmul.f32 v18, v17  }
0x21a: {  	v15 =	vadd.f32 v15, v15;
	v18 =	vsel vm0, $0x3F800000, v2  }
0x21b: {  	v16 =	vadd.f32 v16, v18;
	v18 =	vadd.f32 $1.000000000e+00, v17;
	_ =	sdelay $0x1  }
0x21c: {  	v16 =	vmul.f32 $6.931471820e-01, v16;
	v15 =	vmul.f32 v18, v15  }
0x21d: {  	v17 =	vpop (erf)  }
0x21e: {  	v15 =	vadd.f32 v15, v16;
	v16 =	vmul.f32 $-5.108256340e-01, v17;
	_ =	sdelay $0x1  }
0x21f: {  	v15 =	vmul.f32 $3.125000000e+00, v15;
	v16 =	vmul.f32 $1.442695020e+00, v16;
	_ =	sdelay $0x1  }
0x220: {  	v15 =	vmul.f32 $1.442695020e+00, v15;
	(erf) = vpow2.f32 v16  }
0x221: {  	(erf) = vrcp.f32 v8  }
0x222: {  	(erf) = vpow2.f32 v15;
	_ =	sdelay $0x6  }
0x223: {  	v15 =	vpop (erf)  }
0x224: {  	v15 =	vsub.f32 $1.000000000e+00, v15;
	v16 =	vpop (erf)  }
0x225: {  	v17 =	vpop (erf)  }
0x226: {  	v16 =	vmul.f32 v17, v16;
	v17 =	vsub.f32 v9, v17;
	v18 =	vmul.f32 v15, v9;
	_ =	sdelay $0x1  }
0x227: {  	v15 =	vmul.f32 v17, v1;
	v16 =	vmul.f32 v16, v7  }
0x228: {  	v17 =	vmul.f32 v18, v3  }
0x229: {  	v18 =	vmul.f32 $9.999999740e-06, v15  }
0x22a: {  	v16 =	vsub.f32 v17, v16  }
0x22b: {  	v17 =	vadd.f32 v18, v8;
	_ =	sdelay $0x1  }
0x22c: {  	v18 =	vshrl.u32 v17, $0x17;
	v19 =	vand.u32 $0x7FFFFF, v17  }
0x22d: {  	v18 =	vand.u32 $0xFF, v18;
	v19 =	vor.u32 $0x3F800000, v19  }
0x22e: {  	v20 =	vmul.f32 $5.000000000e-01, v19;
	v18 =	vadd.s32 $0xFFFFFF81, v18  }
0x22f: {  	vm0 =	vgt.f32 v19, $1.414213540e+00;
	v18 =	vcvt.s32.f32 v18  }
0x230: {  	v19 =	vsel vm0, v20, v19;
	v20 =	vsel vm0, $0x3F800000, v2  }
0x231: {  	v18 =	vadd.f32 v18, v20;
	v20 =	vadd.f32 $1.000000000e+00, v19;
	_ =	sdelay $0x1  }
0x232: {  	(erf) = vrcp.f32 v20;
	_ =	sdelay $0x7  }
0x233: {  	v19 =	vadd.f32 $-1.000000000e+00, v19  }
0x234: {  	v20 =	vpop (erf)  }
0x235: {  	v13 =	vmul.f32 $4.099999960e-01, v13;
	v19 =	vmul.f32 v20, v19;
	_ =	sdelay $0x1  }
0x236: {  	v14 =	vsub.f32 v14, v13;
	v13 =	vmul.f32 v19, v19;
	_ =	sdelay $0x1  }
0x237: {  	v20 =	vmul.f32 $9.999999740e-06, v14;
	v21 =	vmul.f32 $1.428571490e-01, v13  }
0x238: {  	v22 =	vadd.f32 v11, v9  }
0x239: {  	v11 =	vadd.f32 v20, v10;
	v20 =	vadd.f32 $2.000000030e-01, v21  }
0x23a: {  	(erf) = vrcp.f32 v22  }
0x23b: {  	v23 =	vadd.f32 $-1.000000000e+00, v22;
	v21 =	vmul.f32 $6.499999760e-01, v11;
	v20 =	vmul.f32 v20, v13  }
0x23c: {  	v11 =	vadd.f32 v11, v10  }
0x23d: {  	v12 =	vsub.f32 v12, v21;
	v21 =	vmul.f32 $4.099999960e-01, v23;
	v20 =	vadd.f32 $3.333333430e-01, v20  }
0x23e: {  	v11 =	vmul.f32 $4.999999870e-06, v11  }
0x23f: {  	v12 =	vsub.f32 v12, v21;
	v13 =	vmul.f32 v20, v13  }
0x240: {  	v9 =	vadd.f32 v11, v9  }
0x241: {  	v11 =	vadd.f32 v19, v19;
	v20 =	vadd.f32 $1.000000000e+00, v13  }
0x242: {  	v14 =	vadd.f32 v12, v14;
	v13 =	vadd.f32 $-1.000000000e+00, v9  }
0x243: {  	s26 =	sshra.s32 s26, $0x2;
	v18 =	vmul.f32 $6.931471820e-01, v18;
	v11 =	vmul.f32 v20, v11;
	v19 =	vpop (erf)  }
0x244: {  	v14 =	vmul.f32 $4.999999870e-06, v14;
	v12 =	vld.idx.msk [tilespmem:v6+s26+$0x0 ss:$0x1], $0xffff  }
0x245: {  	v11 =	vadd.f32 v11, v18;
	v18 =	vmul.f32 $-5.108256340e-01, v19  }
0x246: {  	v10 =	vadd.f32 v14, v10  }
0x247: {  	v14 =	vmul.f32 $3.125000000e+00, v11;
	v18 =	vmul.f32 $1.442695020e+00, v18  }
0x248: {  	v19 =	vmul.f32 $6.499999760e-01, v10;
	v11 =	vmul.f32 $9.999999740e-06, v10  }
0x249: {  	v20 =	vmul.f32 $1.442695020e+00, v14;
	(erf) = vpow2.f32 v18  }
0x24a: {  	v14 =	vsub.f32 v12, v19;
	(erf) = vrcp.f32 v17  }
0x24b: {  	(erf) = vpow2.f32 v20;
	_ =	sdelay $0x5  }
0x24c: {  	v16 =	vmul.f32 v16, v1  }
0x24d: {  	v17 =	vpop (erf)  }
0x24e: {  	v18 =	vmul.f32 $9.999999740e-06, v16;
	v17 =	vsub.f32 $1.000000000e+00, v17;
	v19 =	vpop (erf)  }
0x24f: {  	v20 =	vpop (erf)  }
0x250: {  	v18 =	vadd.f32 v18, v7;
	v19 =	vmul.f32 v20, v19;
	v20 =	vsub.f32 v22, v20  }
0x251: {  	v17 =	vmul.f32 v17, v22  }
0x252: {  	v20 =	vmul.f32 v20, v1;
	v18 =	vmul.f32 v19, v18  }
0x253: {  	v17 =	vmul.f32 v17, v3  }
0x254: {  	v15 =	vadd.f32 v20, v15  }
0x255: {  	v17 =	vsub.f32 v17, v18  }
0x256: {  	v15 =	vmul.f32 $4.999999870e-06, v15  }
.Ltmp11:
0x257: {  	v17 =	vmul.f32 v17, v1;
	(pc) =	sbr.rel @p2 .LBB2_12-.Ltmp11, $4  }
0x258: {  	v8 =	vadd.f32 v15, v8  }
0x259: {  	v15 =	vadd.f32 v17, v16  }
0x25a: {  	v16 =	vshrl.u32 v8, $0x17;
	v17 =	vand.u32 $0x7FFFFF, v8  }
0x25b: {  	v15 =	vmul.f32 $4.999999870e-06, v15;
	v16 =	vand.u32 $0xFF, v16;
	v17 =	vor.u32 $0x3F800000, v17  }
0x25c: {  	v10 =	vmul.f32 $5.000000000e-01, v17  }
0x25d: {  	vm0 =	vgt.f32 v17, $1.414213540e+00  }
0x25e: {  	v10 =	vsel vm0, v10, v17  }
0x25f: {  	v12 =	vadd.f32 $1.000000000e+00, v10;
	_ =	sdelay $0x1  }
0x260: {  	(erf) = vrcp.f32 v12;
	_ =	sdelay $0x7  }
0x261: {  	v10 =	vadd.f32 $-1.000000000e+00, v10  }
0x262: {  	v12 =	vpop (erf)  }
0x263: {  	v10 =	vmul.f32 v12, v10;
	_ =	sdelay $0x1  }
0x264: {  	v12 =	vmul.f32 v10, v10;
	_ =	sdelay $0x1  }
0x265: {  	v13 =	vmul.f32 $1.428571490e-01, v12;
	_ =	sdelay $0x1  }
0x266: {  	v13 =	vadd.f32 $2.000000030e-01, v13;
	_ =	sdelay $0x1  }
0x267: {  	(erf) = vrcp.f32 v9;
	v13 =	vmul.f32 v13, v12;
	_ =	sdelay $0x1  }
0x268: {  	v13 =	vadd.f32 $3.333333430e-01, v13  }
0x269: {  	v14 =	vadd.s32 $0xFFFFFF81, v16  }
0x26a: {  	v14 =	vcvt.s32.f32 v14;
	v12 =	vmul.f32 v13, v12  }
0x26b: {  	v40 =	vsel vm0, $0x3F800000, v2;
	v10 =	vadd.f32 v10, v10  }
0x26c: {  	v13 =	vadd.f32 v14, v40;
	v12 =	vadd.f32 $1.000000000e+00, v12;
	_ =	sdelay $0x1  }
0x26d: {  	v41 =	vmul.f32 $6.931471820e-01, v13;
	v10 =	vmul.f32 v12, v10  }
0x26e: {  	v42 =	vpop (erf)  }
0x26f: {  	v43 =	vmul.f32 $-5.108256340e-01, v42;
	v10 =	vadd.f32 v10, v41;
	_ =	sdelay $0x1  }
0x270: {  	v12 =	vmul.f32 $1.442695020e+00, v43;
	v10 =	vmul.f32 $3.125000000e+00, v10;
	_ =	sdelay $0x1  }
0x271: {  	(erf) = vpow2.f32 v12;
	v10 =	vmul.f32 $1.442695020e+00, v10  }
0x272: {  	(erf) = vrcp.f32 v8  }
0x273: {  	(erf) = vpow2.f32 v10;
	_ =	sdelay $0x6  }
0x274: {  	v44 =	vpop (erf)  }
0x275: {  	v45 =	vpop (erf)  }
0x276: {  	v46 =	vpop (erf)  }
0x277: {  	v47 =	vsub.f32 v9, v46;
	_ =	sdelay $0x1  }
0x278: {  	v14 =	vmul.f32 v47, v1;
	_ =	sdelay $0x1  }
0x279: {  	v48 =	vmul.f32 $9.999999740e-06, v14;
	_ =	sdelay $0x1  }
0x27a: {  	v16 =	vadd.f32 v48, v8;
	_ =	sdelay $0x1  }
0x27b: {  	v49 =	vand.u32 $0x7FFFFF, v16  }
0x27c: {  	v17 =	vor.u32 $0x3F800000, v49  }
0x27d: {  	v18 =	vmul.f32 $5.000000000e-01, v17  }
0x27e: {  	vm15 =	vgt.f32 v17, $1.414213540e+00  }
0x27f: {  	v17 =	vsel vm15, v18, v17  }
0x280: {  	v18 =	vadd.f32 $1.000000000e+00, v17;
	_ =	sdelay $0x1  }
0x281: {  	(erf) = vrcp.f32 v18;
	_ =	sdelay $0x7  }
0x282: {  	v17 =	vadd.f32 $-1.000000000e+00, v17  }
0x283: {  	v18 =	vpop (erf)  }
0x284: {  	v17 =	vmul.f32 v18, v17;
	_ =	sdelay $0x1  }
0x285: {  	v18 =	vmul.f32 v17, v17;
	_ =	sdelay $0x1  }
0x286: {  	v19 =	vmul.f32 $1.428571490e-01, v18;
	_ =	sdelay $0x1  }
0x287: {  	v11 =	vadd.f32 v11, v9;
	v19 =	vadd.f32 $2.000000030e-01, v19;
	_ =	sdelay $0x1  }
0x288: {  	(erf) = vrcp.f32 v11;
	v19 =	vmul.f32 v19, v18  }
0x289: {  	v20 =	vshrl.u32 v16, $0x17  }
0x28a: {  	v20 =	vand.u32 $0xFF, v20;
	v19 =	vadd.f32 $3.333333430e-01, v19  }
0x28b: {  	v20 =	vadd.s32 $0xFFFFFF81, v20  }
0x28c: {  	v20 =	vcvt.s32.f32 v20;
	v18 =	vmul.f32 v19, v18  }
0x28d: {  	v50 =	vsel vm15, $0x3F800000, v2;
	v17 =	vadd.f32 v17, v17  }
0x28e: {  	v19 =	vadd.f32 v20, v50;
	v18 =	vadd.f32 $1.000000000e+00, v18;
	_ =	sdelay $0x1  }
0x28f: {  	v51 =	vmul.f32 $6.931471820e-01, v19;
	v17 =	vmul.f32 v18, v17  }
0x290: {  	v52 =	vpop (erf)  }
0x291: {  	v53 =	vmul.f32 $-5.108256340e-01, v52;
	v17 =	vadd.f32 v17, v51;
	_ =	sdelay $0x1  }
0x292: {  	v18 =	vmul.f32 $1.442695020e+00, v53;
	v17 =	vmul.f32 $3.125000000e+00, v17;
	_ =	sdelay $0x1  }
0x293: {  	(erf) = vpow2.f32 v18;
	v17 =	vmul.f32 $1.442695020e+00, v17  }
0x294: {  	(erf) = vrcp.f32 v16  }
0x295: {  	(erf) = vpow2.f32 v17;
	_ =	sdelay $0x3  }
0x296: {  	v10 =	vsub.f32 $1.000000000e+00, v44;
	_ =	sdelay $0x1  }
0x297: {  	v7 =	vadd.f32 v15, v7;
	v54 =	vmul.f32 v10, v9;
	v12 =	vmul.f32 v46, v45  }
0x298: {  	v55 =	vpop (erf)  }
0x299: {  	v9 =	vmul.f32 v54, v3;
	v12 =	vmul.f32 v12, v7;
	v56 =	vpop (erf)  }
0x29a: {  	v57 =	vpop (erf)  }
0x29b: {  	v9 =	vsub.f32 v9, v12;
	v58 =	vsub.f32 v11, v57;
	_ =	sdelay $0x1  }
0x29c: {  	v9 =	vmul.f32 v9, v1;
	v12 =	vmul.f32 v58, v1  }
0x29d: {  	v10 =	vsub.f32 $1.000000000e+00, v55  }
0x29e: {  	v59 =	vmul.f32 $9.999999740e-06, v9;
	v12 =	vadd.f32 v12, v14  }
0x29f: {  	v10 =	vmul.f32 v10, v11  }
0x2a0: {  	v60 =	vadd.f32 v59, v7;
	v13 =	vmul.f32 v57, v56;
	v61 =	vmul.f32 $4.999999870e-06, v12;
	_ =	sdelay $0x1  }
0x2a1: {  	v10 =	vmul.f32 v10, v3;
	v62 =	vmul.f32 v13, v60;
	v8 =	vadd.f32 v61, v8;
	_ =	sdelay $0x1  }
0x2a2: {  	v10 =	vsub.f32 v10, v62;
	(erf) = vrcp.f32 v8;
	_ =	sdelay $0x1  }
0x2a3: {  	v10 =	vmul.f32 v10, v1;
	_ =	sdelay $0x1  }
0x2a4: {  	v9 =	vadd.f32 v10, v9;
	_ =	sdelay $0x1  }
0x2a5: {  	v9 =	vmul.f32 $4.999999870e-06, v9;
	_ =	sdelay $0x1  }
0x2a6: {  	v7 =	vadd.f32 v9, v7  }
0x2a7: {  	v63 =	vpop (erf)  }
0x2a8: {  	v9 =	vmul.f32 v63, v7;
	_ =	sdelay $0x1  }
0x2a9: {  	v7 =	vsub.f32 $1.000000000e+00, v7;
	v9 =	vsub.f32 $1.000000000e+00, v9;
	_ =	sdelay $0x1  }
0x2aa: {  	v8 =	vsub.f32 $1.000000000e+00, v8;
	v7 =	vmul.f32 $2.799999950e+00, v7;
	v9 =	vmul.f32 $8.000000110e-01, v9;
	_ =	sdelay $0x1  }
0x2ab: {  	v8 =	vmul.f32 $4.799999890e-01, v8;
	v7 =	vadd.f32 v9, v7;
	_ =	sdelay $0x1  }
0x2ac: {  	v7 =	vadd.f32 v7, v8;
	_ =	sdelay $0x1  }
0x2ad: {  	v7 =	vmul.f32 $1.999999960e-02, v7;
	_ =	sdelay $0x1  }
0x2ae: {  	[tilespmem:$0xC790] =	vst v7  }
0x2af: {  	[hbm4b:s11+s3] =	stream.linear.scatter [tilespmem:s22], [sflag:$0x2], $0x10, $0x38;
	[tilespmem:$0xC810] =	vst v63  }
0x2b0: {  	_ =	swait.ge [sflag:s15], $0x10  }
0x2b1: {  	[sflag:s15] =	ssyncset.done $0x0  }
.Ltmp12:
0x2b2: {  	[sflag:s15] =	ssyncadd.s32 $0xFFFFFFF0;
	(pc) =	sbr.rel .LBB2_14-.Ltmp12, $4  }
0x2b3: {  	[hbm4b:s12+s3] =	stream.linear.scatter [tilespmem:s23], [sflag:$0x2], $0x10, $0x38;
	[tilespmem:$0xC810] =	vst v63  }
0x2b4: {  	_ =	swait.ge [sflag:s15], $0x10  }
0x2b5: {  	[sflag:s15] =	ssyncset.done $0x0  }
0x2b6: {  	[sflag:s15] =	ssyncadd.s32 $0xFFFFFFF0  }
.LBB2_15:
0x2b7: {  	_ =	sfence.sel $0x180000  }
0x2b8: {  	[bflag:$0x0] =	sbarrier.arrive $0xFFFF  }
0x2b9: {  	p0 =	sne.s32 s1, $0x0;
	_ =	strace $0x90000047  }
0x2ba: {  	s0 =	sadd.s32 @!p0 $0x100000, s0;
	[bflag:$0x2] =	sbarrier.arrive $0xFFFF  }
0x2bb: {  	[sflag:s0] =	ssyncadd.tile.s32 @!p0 $0x1;
	_ =	shalt  }
.Lfunc_end2:
_tile_overlayer_lowered:
.L_overlay_start_2:
0x2bc: {  	(tag) =	ssettag $0x2  }
0x2bd: {  	s0 =	rddreg [dreg:$0x0];
	s2 =	stileid.u32  }
0x2be: {  	s1 =	rddreg [dreg:$0x1];
	p0 =	sne.s32 s2, $0x0  }
0x2bf: {  	s3 =	rddreg [dreg:$0x2];
	[bflag:$0x3] =	sbarrier.arrive $0xFFFF;
	s2 =	simm.s32 @!p0 $0x1C02  }
0x2c0: {  	[timem:s3], [sflag:s2] =	dma.local @!p0 [hbm:s0], s1  }
0x2c1: {  	s0 =	simm.s32 @!p0 $0x2  }
0x2c2: {  	_ =	swait.ge @!p0 [sflag:s0], s1  }
0x2c3: {  	s1 =	ssub.s32 @!p0 $0x0, s1;
	[sflag:s0] =	ssyncset.done @!p0 $0x0  }
0x2c4: {  	[sflag:s0] =	ssyncadd.s32 @!p0 s1  }
0x2c5: {  	[bflag:$0x3] =	sbarrier.arrive $0xFFFF  }
0x2c6: {  	_ =	shalt  }

</sc_bundles>
